<compile_context>
chip_gen: v7x
topology: tpu7x:2x2x1
jax: 0.10.2.dev20260603
libtpu: 0.0.44.dev20260713+nightly
codegen_flags: <defaults>
</compile_context>

<pallas_src>
import functools
import jax
import jax.numpy as jnp
from jax import lax
from jax.experimental import pallas as pl
from jax.experimental.pallas import tpu as pltpu
from jax.experimental.pallas import tpu_sc as plsc

CHARGE_DIM = 64
NC, NS = 2, 16
CHUNK = 1024
KSC = 4
NSLOT = 4


def _sc_fill(charge, length, L, D):
    nw = NC * NS
    per_w = (KSC * 8) // nw
    mesh = plsc.VectorSubcoreMesh(core_axis_name="c", subcore_axis_name="s")

    @functools.partial(
        pl.kernel,
        out_type=jax.ShapeDtypeStruct((KSC, D, L), jnp.float32),
        mesh=mesh,
        scratch_types=[
            pltpu.VMEM((16,), jnp.float32),
            pltpu.VMEM((16,), jnp.int32),
            pltpu.VMEM((8, 2 * CHUNK), jnp.float32),
            pltpu.VMEM((8, 128), jnp.float32),
            pltpu.SemaphoreType.DMA,
        ],
        compiler_params=pltpu.CompilerParams(
            use_tc_tiling_on_sc=True, needs_layout_passes=False
        ),
    )
    def k(charge_hbm, length_hbm, out_hbm, chv, lnv, buf, btile, sem):
        wid = lax.axis_index("c") * NS + lax.axis_index("s")
        b = (wid * per_w) // 8

        pltpu.sync_copy(charge_hbm, chv)
        pltpu.sync_copy(length_hbm, lnv)

        lane = lax.iota(jnp.int32, 16)
        sel = lane == b
        my_charge = jnp.sum(jnp.where(sel, chv[...], jnp.float32(0.0)))
        my_len = jnp.sum(jnp.where(sel, lnv[...], jnp.int32(0)))

        full = my_len // 128
        rem = my_len - full * 128

        chvec = lax.broadcast(my_charge, (16,))
        zvec = jnp.zeros((16,), jnp.float32)

        def fill(i, _):
            c = i * 16
            for r in range(8):
                buf[r, pl.ds(c, 16)] = chvec
                buf[r, pl.ds(CHUNK + c, 16)] = zvec
            return 0

        lax.fori_loop(0, CHUNK // 16, fill, 0)

        for g in range(8):
            bval = jnp.where(g * 16 + lane < rem, my_charge, jnp.float32(0.0))
            for r in range(8):
                btile[r, pl.ds(g * 16, 16)] = bval

        copies = []
        for j in range(per_w):
            dt = (wid * per_w + j) % 8
            for c in range(L // CHUNK):
                s = pl.multiple_of(
                    jnp.clip((c + 1) * CHUNK - full * 128, 0, CHUNK), 128
                )
                copies.append(
                    pltpu.async_copy(
                        buf.at[:, pl.ds(s, CHUNK)],
                        out_hbm.at[b, pl.ds(dt * 8, 8), pl.ds(c * CHUNK, CHUNK)],
                        sem,
                    )
                )
        for cp in copies:
            cp.wait()

        @pl.when(full < L // 128)
        def _():
            bcopies = []
            for j in range(per_w):
                dt = (wid * per_w + j) % 8
                bcopies.append(
                    pltpu.async_copy(
                        btile.at[:, :],
                        out_hbm.at[
                            b, pl.ds(dt * 8, 8),
                            pl.ds(pl.multiple_of(full * 128, 128), 128),
                        ],
                        sem,
                    )
                )
            for cp in bcopies:
                cp.wait()

    return k(charge, length)


def _tc_fill(charge, length, n, L, D):

    def body(charge_ref, length_ref, out_ref, buf, sems):
        b = pl.program_id(0)
        slot = lax.rem(b, NSLOT)
        ch = charge_ref[b]
        ln = length_ref[b]

        @pl.when(b >= NSLOT)
        def _():
            pltpu.make_async_copy(
                buf.at[slot], out_ref.at[b - NSLOT], sems.at[slot]
            ).wait()

        pos = lax.broadcasted_iota(jnp.int32, (D, L), 1)
        buf[slot] = jnp.where(pos < ln, ch, jnp.float32(0.0))
        pltpu.make_async_copy(buf.at[slot], out_ref.at[b], sems.at[slot]).start()

        @pl.when(b == n - 1)
        def _():
            for k in range(min(NSLOT, n)):
                r = n - min(NSLOT, n) + k
                pltpu.make_async_copy(
                    buf.at[r % NSLOT], out_ref.at[r], sems.at[r % NSLOT]
                ).wait()

    return pl.pallas_call(
        body,
        grid=(n,),
        in_specs=[
            pl.BlockSpec(memory_space=pltpu.SMEM),
            pl.BlockSpec(memory_space=pltpu.SMEM),
        ],
        out_specs=pl.BlockSpec(memory_space=pl.ANY),
        out_shape=jax.ShapeDtypeStruct((n, D, L), jnp.float32),
        scratch_shapes=[
            pltpu.VMEM((NSLOT, D, L), jnp.float32),
            pltpu.SemaphoreType.DMA((NSLOT,)),
        ],
    )(charge, length)


def kernel(sequence, charge, length):
    B, L = sequence.shape
    D = CHARGE_DIM
    sc_part = _sc_fill(charge, length, L, D)
    tc_part = _tc_fill(charge[KSC:], length[KSC:], B - KSC, L, D)
    out_bdl = jnp.concatenate([sc_part, tc_part], axis=0)
    return out_bdl.transpose(0, 2, 1)

# --- scband reference (transcript-rebuilt; emitter-appended) ---
"""Pipeline reference for scband-input-peptide-charge-56049323213766 (READ-ONLY COPY).

The authoritative reference and input builder live on the scoring server;
editing this copy changes nothing except your own understanding.
"""

import jax, jax.numpy as jnp
import numpy as np

CHARGE_DIM = 64  # from configs['model']['hyperparams']['charge_dim']


def setup_inputs(seed: int = 0) -> dict:
    key = jax.random.key(seed)
    k1, k2, k3 = jax.random.split(key, 3)
    B, L = 16, 4096
    sequence = jax.random.randint(k1, (B, L), 0, 30, dtype=jnp.int32)
    charge = jax.random.uniform(k2, (B,), minval=1.0, maxval=8.0, dtype=jnp.float32)
    length = jax.random.randint(k3, (B,), 1, L + 1, dtype=jnp.int32)
    return {"sequence": sequence, "charge": charge, "length": length}


def reference(sequence, charge, length):
    # Faithful translation of InputPeptideCharge.forward:
    #   ch = zeros(B, L, charge_dim); for i, ln in enumerate(length): ch[i, :ln, :] = charge[i]
    # Vectorized as a masked broadcast-write (identical math).
    B, L = sequence.shape
    positions = jnp.arange(L, dtype=length.dtype)[None, :]          # [1, L]
    mask = positions < length[:, None]                               # [B, L]
    ch = jnp.where(mask[:, :, None], charge[:, None, None], jnp.float32(0.0))  # [B, L, 1]
    ch = jnp.broadcast_to(ch, (B, L, CHARGE_DIM))                    # [B, L, D]
    return ch

if __name__ == "__main__":
    import jax
    _d = setup_inputs()
    print(jax.jit(kernel)(*tuple(_d.values())))

</pallas_src>

<mosaic_0001>
#map = affine_map<(d0, d1) -> (0)>
#map1 = affine_map<(d0, d1) -> (0, 0, 0)>
module attributes {stable_mosaic.version = 14 : i64} {
  func.func @k(%arg0: i32, %arg1: i32, %arg2: memref<16xf32, #tpu.memory_space<hbm>>, %arg3: memref<16xi32, #tpu.memory_space<hbm>>, %arg4: memref<4x64x4096xf32, #tpu.memory_space<hbm>>, %arg5: memref<16xf32, #tpu.memory_space<vmem>>, %arg6: memref<16xi32, #tpu.memory_space<vmem>>, %arg7: memref<8x2048xf32, #tpu.memory_space<vmem>>, %arg8: memref<8x128xf32, #tpu.memory_space<vmem>>, %arg9: memref<!tpu.dma_semaphore, #tpu.memory_space<semaphore_mem>>) attributes {dimension_semantics = [#tpu.dimension_semantics<core_parallel>, #tpu.dimension_semantics<subcore_parallel>], iteration_bounds = array<i64: 2, 16>, scalar_prefetch = 0 : i64, scratch_operands = 5 : i64, tpu.core_type = #tpu.core_type<sc_vector_subcore>, window_params = [{transform_indices = #map}, {transform_indices = #map}, {transform_indices = #map1}]} {
    %mul3A = arith.constant 16 : i32
    %mul3A_0 = arith.muli %arg0, %mul3A : i32
    %add3A = arith.addi %mul3A_0, %arg1 : i32
    %mul3A_1 = arith.constant 1 : i32
    %mul3A_2 = arith.muli %add3A, %mul3A_1 : i32
    %jit3A = arith.constant 8 : i32
    %div3A = arith.divsi %mul3A_2, %jit3A : i32
    %sign3A = arith.constant 0 : i32
    %sign3A_3 = arith.cmpi sgt, %mul3A_2, %sign3A : i32
    %sign3A_4 = arith.extui %sign3A_3 : i1 to i32
    %sign3A_5 = arith.constant 0 : i32
    %sign3A_6 = arith.cmpi slt, %mul3A_2, %sign3A_5 : i32
    %sign3A_7 = arith.extui %sign3A_6 : i1 to i32
    %sign3A_8 = arith.subi %sign3A_4, %sign3A_7 : i32
    %sign3A_9 = arith.constant 0 : i32
    %sign3A_10 = arith.cmpi sgt, %jit3A, %sign3A_9 : i32
    %sign3A_11 = arith.extui %sign3A_10 : i1 to i32
    %sign3A_12 = arith.constant 0 : i32
    %sign3A_13 = arith.cmpi slt, %jit3A, %sign3A_12 : i32
    %sign3A_14 = arith.extui %sign3A_13 : i1 to i32
    %sign3A_15 = arith.subi %sign3A_11, %sign3A_14 : i32
    %ne3A = arith.cmpi ne, %sign3A_8, %sign3A_15 : i32
    %rem3A = arith.remsi %mul3A_2, %jit3A : i32
    %ne3A_16 = arith.constant 0 : i32
    %ne3A_17 = arith.cmpi ne, %rem3A, %ne3A_16 : i32
    %and3A = arith.andi %ne3A, %ne3A_17 : i1
    %sub3A = arith.constant 1 : i32
    %sub3A_18 = arith.subi %div3A, %sub3A : i32
    %select_n3A = arith.select %and3A, %sub3A_18, %div3A : i32
    "tpu.region"() ({
      %run_scoped3A = tpu.sem_alloc : memref<!tpu.dma_semaphore, #tpu.memory_space<semaphore_mem>>
      tpu.enqueue_dma source(%arg2 : memref<16xf32, #tpu.memory_space<hbm>>) target(%arg5 : memref<16xf32, #tpu.memory_space<vmem>>) target_semaphore(%run_scoped3A : memref<!tpu.dma_semaphore, #tpu.memory_space<semaphore_mem>>)
      tpu.wait_dma2 semaphore(%run_scoped3A : memref<!tpu.dma_semaphore, #tpu.memory_space<semaphore_mem>>) src(%arg2 : memref<16xf32, #tpu.memory_space<hbm>>) dst(%arg5 : memref<16xf32, #tpu.memory_space<vmem>>)
      tpu.yield
    }) : () -> ()
    "tpu.region"() ({
      %run_scoped3A = tpu.sem_alloc : memref<!tpu.dma_semaphore, #tpu.memory_space<semaphore_mem>>
      tpu.enqueue_dma source(%arg3 : memref<16xi32, #tpu.memory_space<hbm>>) target(%arg6 : memref<16xi32, #tpu.memory_space<vmem>>) target_semaphore(%run_scoped3A : memref<!tpu.dma_semaphore, #tpu.memory_space<semaphore_mem>>)
      tpu.wait_dma2 semaphore(%run_scoped3A : memref<!tpu.dma_semaphore, #tpu.memory_space<semaphore_mem>>) src(%arg3 : memref<16xi32, #tpu.memory_space<hbm>>) dst(%arg6 : memref<16xi32, #tpu.memory_space<vmem>>)
      tpu.yield
    }) : () -> ()
    %iota3A = tpu.iota {dimensions = array<i32: 0>} : vector<16xi32>
    %eq3A = vector.broadcast %select_n3A : i32 to vector<16xi32>
    %eq3A_19 = arith.cmpi eq, %iota3A, %eq3A : vector<16xi32>
    %get3A = arith.constant 0 : index
    %get3A_20 = tpu.vector_load %arg5[%get3A] {strides = array<i32>} : memref<16xf32, #tpu.memory_space<vmem>>, vector<16xf32>,
    %jit3A_21 = arith.constant 0.000000e+00 : f32
    %broadcast_in_dim3A = vector.broadcast %jit3A_21 : f32 to vector<16xf32>
    %select_n3A_22 = arith.select %eq3A_19, %get3A_20, %broadcast_in_dim3A : vector<16xi1>, vector<16xf32>
    %reduce_sum3A = arith.constant true
    %reduce_sum3A_23 = vector.broadcast %reduce_sum3A : i1 to vector<16xi1>
    %reduce_sum3A_24 = tpu.scan <sum>, %select_n3A_22 masked %reduce_sum3A_23 : vector<16xf32>, vector<16xi1> -> vector<16xf32>
    %reduce_sum3A_25 = vector.extract %reduce_sum3A_24[15] : f32 from vector<16xf32>
    %get3A_26 = arith.constant 0 : index
    %get3A_27 = tpu.vector_load %arg6[%get3A_26] {strides = array<i32>} : memref<16xi32, #tpu.memory_space<vmem>>, vector<16xi32>,
    %jit3A_28 = arith.constant 0 : i32
    %broadcast_in_dim3A_29 = vector.broadcast %jit3A_28 : i32 to vector<16xi32>
    %select_n3A_30 = arith.select %eq3A_19, %get3A_27, %broadcast_in_dim3A_29 : vector<16xi1>, vector<16xi32>
    %reduce_sum3A_31 = arith.constant true
    %reduce_sum3A_32 = vector.broadcast %reduce_sum3A_31 : i1 to vector<16xi1>
    %reduce_sum3A_33 = tpu.scan <sum>, %select_n3A_30 masked %reduce_sum3A_32 : vector<16xi32>, vector<16xi1> -> vector<16xi32>
    %reduce_sum3A_34 = vector.extract %reduce_sum3A_33[15] : i32 from vector<16xi32>
    %jit3A_35 = arith.constant 128 : i32
    %div3A_36 = arith.divsi %reduce_sum3A_34, %jit3A_35 : i32
    %sign3A_37 = arith.constant 0 : i32
    %sign3A_38 = arith.cmpi sgt, %reduce_sum3A_34, %sign3A_37 : i32
    %sign3A_39 = arith.extui %sign3A_38 : i1 to i32
    %sign3A_40 = arith.constant 0 : i32
    %sign3A_41 = arith.cmpi slt, %reduce_sum3A_34, %sign3A_40 : i32
    %sign3A_42 = arith.extui %sign3A_41 : i1 to i32
    %sign3A_43 = arith.subi %sign3A_39, %sign3A_42 : i32
    %sign3A_44 = arith.constant 0 : i32
    %sign3A_45 = arith.cmpi sgt, %jit3A_35, %sign3A_44 : i32
    %sign3A_46 = arith.extui %sign3A_45 : i1 to i32
    %sign3A_47 = arith.constant 0 : i32
    %sign3A_48 = arith.cmpi slt, %jit3A_35, %sign3A_47 : i32
    %sign3A_49 = arith.extui %sign3A_48 : i1 to i32
    %sign3A_50 = arith.subi %sign3A_46, %sign3A_49 : i32
    %ne3A_51 = arith.cmpi ne, %sign3A_43, %sign3A_50 : i32
    %rem3A_52 = arith.remsi %reduce_sum3A_34, %jit3A_35 : i32
    %ne3A_53 = arith.constant 0 : i32
    %ne3A_54 = arith.cmpi ne, %rem3A_52, %ne3A_53 : i32
    %and3A_55 = arith.andi %ne3A_51, %ne3A_54 : i1
    %sub3A_56 = arith.constant 1 : i32
    %sub3A_57 = arith.subi %div3A_36, %sub3A_56 : i32
    %select_n3A_58 = arith.select %and3A_55, %sub3A_57, %div3A_36 : i32
    %mul3A_59 = arith.constant 128 : i32
    %mul3A_60 = arith.muli %select_n3A_58, %mul3A_59 : i32
    %sub3A_61 = arith.subi %reduce_sum3A_34, %mul3A_60 : i32
    %broadcast_in_dim3A_62 = vector.broadcast %reduce_sum3A_25 : f32 to vector<16xf32>
    %broadcast_in_dim3A_63 = arith.constant 0.000000e+00 : f32
    %broadcast_in_dim3A_64 = vector.broadcast %broadcast_in_dim3A_63 : f32 to vector<16xf32>
    %scan3A = arith.constant 0 : i32
    %scan3A_65 = arith.constant 0 : i32
    %scan3A_66 = arith.constant 64 : i32
    %scan3A_67 = arith.addi %scan3A_65, %scan3A_66 : i32
    %scan3A_68 = arith.constant 1 : i32
    %scan3A_69 = scf.for %scan3A_539 = %scan3A_65 to %scan3A_67 step %scan3A_68 iter_args(%scan3A_540 = %scan3A) -> (i32)  : i32 {
      %mul3A_541 = arith.constant 16 : i32
      %mul3A_542 = arith.muli %scan3A_539, %mul3A_541 : i32
      %swap3A_543 = arith.constant 0 : i32
      %swap3A_544 = arith.index_cast %swap3A_543 : i32 to index
      %swap3A_545 = arith.index_cast %mul3A_542 : i32 to index
      %swap3A_546 = tpu.vector_load %arg7[%swap3A_544, %swap3A_545] {strides = array<i32>} : memref<8x2048xf32, #tpu.memory_space<vmem>>, vector<16xf32>,
      tpu.vector_store %arg7[%swap3A_544, %swap3A_545], %broadcast_in_dim3A_62 {strides = array<i32>} : memref<8x2048xf32, #tpu.memory_space<vmem>>, vector<16xf32>,
      %add3A_547 = arith.constant 1024 : i32
      %add3A_548 = arith.addi %add3A_547, %mul3A_542 : i32
      %swap3A_549 = arith.constant 0 : i32
      %swap3A_550 = arith.index_cast %swap3A_549 : i32 to index
      %swap3A_551 = arith.index_cast %add3A_548 : i32 to index
      %swap3A_552 = tpu.vector_load %arg7[%swap3A_550, %swap3A_551] {strides = array<i32>} : memref<8x2048xf32, #tpu.memory_space<vmem>>, vector<16xf32>,
      tpu.vector_store %arg7[%swap3A_550, %swap3A_551], %broadcast_in_dim3A_64 {strides = array<i32>} : memref<8x2048xf32, #tpu.memory_space<vmem>>, vector<16xf32>,
      %swap3A_553 = arith.constant 1 : i32
      %swap3A_554 = arith.index_cast %swap3A_553 : i32 to index
      %swap3A_555 = arith.index_cast %mul3A_542 : i32 to index
      %swap3A_556 = tpu.vector_load %arg7[%swap3A_554, %swap3A_555] {strides = array<i32>} : memref<8x2048xf32, #tpu.memory_space<vmem>>, vector<16xf32>,
      tpu.vector_store %arg7[%swap3A_554, %swap3A_555], %broadcast_in_dim3A_62 {strides = array<i32>} : memref<8x2048xf32, #tpu.memory_space<vmem>>, vector<16xf32>,
      %add3A_557 = arith.constant 1024 : i32
      %add3A_558 = arith.addi %add3A_557, %mul3A_542 : i32
      %swap3A_559 = arith.constant 1 : i32
      %swap3A_560 = arith.index_cast %swap3A_559 : i32 to index
      %swap3A_561 = arith.index_cast %add3A_558 : i32 to index
      %swap3A_562 = tpu.vector_load %arg7[%swap3A_560, %swap3A_561] {strides = array<i32>} : memref<8x2048xf32, #tpu.memory_space<vmem>>, vector<16xf32>,
      tpu.vector_store %arg7[%swap3A_560, %swap3A_561], %broadcast_in_dim3A_64 {strides = array<i32>} : memref<8x2048xf32, #tpu.memory_space<vmem>>, vector<16xf32>,
      %swap3A_563 = arith.constant 2 : i32
      %swap3A_564 = arith.index_cast %swap3A_563 : i32 to index
      %swap3A_565 = arith.index_cast %mul3A_542 : i32 to index
      %swap3A_566 = tpu.vector_load %arg7[%swap3A_564, %swap3A_565] {strides = array<i32>} : memref<8x2048xf32, #tpu.memory_space<vmem>>, vector<16xf32>,
      tpu.vector_store %arg7[%swap3A_564, %swap3A_565], %broadcast_in_dim3A_62 {strides = array<i32>} : memref<8x2048xf32, #tpu.memory_space<vmem>>, vector<16xf32>,
      %add3A_567 = arith.constant 1024 : i32
      %add3A_568 = arith.addi %add3A_567, %mul3A_542 : i32
      %swap3A_569 = arith.constant 2 : i32
      %swap3A_570 = arith.index_cast %swap3A_569 : i32 to index
      %swap3A_571 = arith.index_cast %add3A_568 : i32 to index
      %swap3A_572 = tpu.vector_load %arg7[%swap3A_570, %swap3A_571] {strides = array<i32>} : memref<8x2048xf32, #tpu.memory_space<vmem>>, vector<16xf32>,
      tpu.vector_store %arg7[%swap3A_570, %swap3A_571], %broadcast_in_dim3A_64 {strides = array<i32>} : memref<8x2048xf32, #tpu.memory_space<vmem>>, vector<16xf32>,
      %swap3A_573 = arith.constant 3 : i32
      %swap3A_574 = arith.index_cast %swap3A_573 : i32 to index
      %swap3A_575 = arith.index_cast %mul3A_542 : i32 to index
      %swap3A_576 = tpu.vector_load %arg7[%swap3A_574, %swap3A_575] {strides = array<i32>} : memref<8x2048xf32, #tpu.memory_space<vmem>>, vector<16xf32>,
      tpu.vector_store %arg7[%swap3A_574, %swap3A_575], %broadcast_in_dim3A_62 {strides = array<i32>} : memref<8x2048xf32, #tpu.memory_space<vmem>>, vector<16xf32>,
      %add3A_577 = arith.constant 1024 : i32
      %add3A_578 = arith.addi %add3A_577, %mul3A_542 : i32
      %swap3A_579 = arith.constant 3 : i32
      %swap3A_580 = arith.index_cast %swap3A_579 : i32 to index
      %swap3A_581 = arith.index_cast %add3A_578 : i32 to index
      %swap3A_582 = tpu.vector_load %arg7[%swap3A_580, %swap3A_581] {strides = array<i32>} : memref<8x2048xf32, #tpu.memory_space<vmem>>, vector<16xf32>,
      tpu.vector_store %arg7[%swap3A_580, %swap3A_581], %broadcast_in_dim3A_64 {strides = array<i32>} : memref<8x2048xf32, #tpu.memory_space<vmem>>, vector<16xf32>,
      %swap3A_583 = arith.constant 4 : i32
      %swap3A_584 = arith.index_cast %swap3A_583 : i32 to index
      %swap3A_585 = arith.index_cast %mul3A_542 : i32 to index
      %swap3A_586 = tpu.vector_load %arg7[%swap3A_584, %swap3A_585] {strides = array<i32>} : memref<8x2048xf32, #tpu.memory_space<vmem>>, vector<16xf32>,
      tpu.vector_store %arg7[%swap3A_584, %swap3A_585], %broadcast_in_dim3A_62 {strides = array<i32>} : memref<8x2048xf32, #tpu.memory_space<vmem>>, vector<16xf32>,
      %add3A_587 = arith.constant 1024 : i32
      %add3A_588 = arith.addi %add3A_587, %mul3A_542 : i32
      %swap3A_589 = arith.constant 4 : i32
      %swap3A_590 = arith.index_cast %swap3A_589 : i32 to index
      %swap3A_591 = arith.index_cast %add3A_588 : i32 to index
      %swap3A_592 = tpu.vector_load %arg7[%swap3A_590, %swap3A_591] {strides = array<i32>} : memref<8x2048xf32, #tpu.memory_space<vmem>>, vector<16xf32>,
      tpu.vector_store %arg7[%swap3A_590, %swap3A_591], %broadcast_in_dim3A_64 {strides = array<i32>} : memref<8x2048xf32, #tpu.memory_space<vmem>>, vector<16xf32>,
      %swap3A_593 = arith.constant 5 : i32
      %swap3A_594 = arith.index_cast %swap3A_593 : i32 to index
      %swap3A_595 = arith.index_cast %mul3A_542 : i32 to index
      %swap3A_596 = tpu.vector_load %arg7[%swap3A_594, %swap3A_595] {strides = array<i32>} : memref<8x2048xf32, #tpu.memory_space<vmem>>, vector<16xf32>,
      tpu.vector_store %arg7[%swap3A_594, %swap3A_595], %broadcast_in_dim3A_62 {strides = array<i32>} : memref<8x2048xf32, #tpu.memory_space<vmem>>, vector<16xf32>,
      %add3A_597 = arith.constant 1024 : i32
      %add3A_598 = arith.addi %add3A_597, %mul3A_542 : i32
      %swap3A_599 = arith.constant 5 : i32
      %swap3A_600 = arith.index_cast %swap3A_599 : i32 to index
      %swap3A_601 = arith.index_cast %add3A_598 : i32 to index
      %swap3A_602 = tpu.vector_load %arg7[%swap3A_600, %swap3A_601] {strides = array<i32>} : memref<8x2048xf32, #tpu.memory_space<vmem>>, vector<16xf32>,
      tpu.vector_store %arg7[%swap3A_600, %swap3A_601], %broadcast_in_dim3A_64 {strides = array<i32>} : memref<8x2048xf32, #tpu.memory_space<vmem>>, vector<16xf32>,
      %swap3A_603 = arith.constant 6 : i32
      %swap3A_604 = arith.index_cast %swap3A_603 : i32 to index
      %swap3A_605 = arith.index_cast %mul3A_542 : i32 to index
      %swap3A_606 = tpu.vector_load %arg7[%swap3A_604, %swap3A_605] {strides = array<i32>} : memref<8x2048xf32, #tpu.memory_space<vmem>>, vector<16xf32>,
      tpu.vector_store %arg7[%swap3A_604, %swap3A_605], %broadcast_in_dim3A_62 {strides = array<i32>} : memref<8x2048xf32, #tpu.memory_space<vmem>>, vector<16xf32>,
      %add3A_607 = arith.constant 1024 : i32
      %add3A_608 = arith.addi %add3A_607, %mul3A_542 : i32
      %swap3A_609 = arith.constant 6 : i32
      %swap3A_610 = arith.index_cast %swap3A_609 : i32 to index
      %swap3A_611 = arith.index_cast %add3A_608 : i32 to index
      %swap3A_612 = tpu.vector_load %arg7[%swap3A_610, %swap3A_611] {strides = array<i32>} : memref<8x2048xf32, #tpu.memory_space<vmem>>, vector<16xf32>,
      tpu.vector_store %arg7[%swap3A_610, %swap3A_611], %broadcast_in_dim3A_64 {strides = array<i32>} : memref<8x2048xf32, #tpu.memory_space<vmem>>, vector<16xf32>,
      %swap3A_613 = arith.constant 7 : i32
      %swap3A_614 = arith.index_cast %swap3A_613 : i32 to index
      %swap3A_615 = arith.index_cast %mul3A_542 : i32 to index
      %swap3A_616 = tpu.vector_load %arg7[%swap3A_614, %swap3A_615] {strides = array<i32>} : memref<8x2048xf32, #tpu.memory_space<vmem>>, vector<16xf32>,
      tpu.vector_store %arg7[%swap3A_614, %swap3A_615], %broadcast_in_dim3A_62 {strides = array<i32>} : memref<8x2048xf32, #tpu.memory_space<vmem>>, vector<16xf32>,
      %add3A_617 = arith.constant 1024 : i32
      %add3A_618 = arith.addi %add3A_617, %mul3A_542 : i32
      %swap3A_619 = arith.constant 7 : i32
      %swap3A_620 = arith.index_cast %swap3A_619 : i32 to index
      %swap3A_621 = arith.index_cast %add3A_618 : i32 to index
      %swap3A_622 = tpu.vector_load %arg7[%swap3A_620, %swap3A_621] {strides = array<i32>} : memref<8x2048xf32, #tpu.memory_space<vmem>>, vector<16xf32>,
      tpu.vector_store %arg7[%swap3A_620, %swap3A_621], %broadcast_in_dim3A_64 {strides = array<i32>} : memref<8x2048xf32, #tpu.memory_space<vmem>>, vector<16xf32>,
      %scan3A_623 = arith.constant 0 : i32
      scf.yield %scan3A_623 : i32
    }
    %scan3A_70 = arith.constant 64 : i32
    %add3A_71 = arith.constant 0 : i32
    %add3A_72 = vector.broadcast %add3A_71 : i32 to vector<16xi32>
    %add3A_73 = arith.addi %add3A_72, %iota3A : vector<16xi32>
    %lt3A = vector.broadcast %sub3A_61 : i32 to vector<16xi32>
    %lt3A_74 = arith.cmpi slt, %add3A_73, %lt3A : vector<16xi32>
    %jit3A_75 = arith.constant 0.000000e+00 : f32
    %broadcast_in_dim3A_76 = vector.broadcast %reduce_sum3A_25 : f32 to vector<16xf32>
    %broadcast_in_dim3A_77 = vector.broadcast %jit3A_75 : f32 to vector<16xf32>
    %select_n3A_78 = arith.select %lt3A_74, %broadcast_in_dim3A_76, %broadcast_in_dim3A_77 : vector<16xi1>, vector<16xf32>
    %swap3A = arith.constant 0 : i32
    %swap3A_79 = arith.index_cast %swap3A : i32 to index
    %swap3A_80 = arith.constant 0 : index
    %swap3A_81 = tpu.vector_load %arg8[%swap3A_79, %swap3A_80] {strides = array<i32>} : memref<8x128xf32, #tpu.memory_space<vmem>>, vector<16xf32>,
    tpu.vector_store %arg8[%swap3A_79, %swap3A_80], %select_n3A_78 {strides = array<i32>} : memref<8x128xf32, #tpu.memory_space<vmem>>, vector<16xf32>,
    %swap3A_82 = arith.constant 1 : i32
    %swap3A_83 = arith.index_cast %swap3A_82 : i32 to index
    %swap3A_84 = arith.constant 0 : index
    %swap3A_85 = tpu.vector_load %arg8[%swap3A_83, %swap3A_84] {strides = array<i32>} : memref<8x128xf32, #tpu.memory_space<vmem>>, vector<16xf32>,
    tpu.vector_store %arg8[%swap3A_83, %swap3A_84], %select_n3A_78 {strides = array<i32>} : memref<8x128xf32, #tpu.memory_space<vmem>>, vector<16xf32>,
    %swap3A_86 = arith.constant 2 : i32
    %swap3A_87 = arith.index_cast %swap3A_86 : i32 to index
    %swap3A_88 = arith.constant 0 : index
    %swap3A_89 = tpu.vector_load %arg8[%swap3A_87, %swap3A_88] {strides = array<i32>} : memref<8x128xf32, #tpu.memory_space<vmem>>, vector<16xf32>,
    tpu.vector_store %arg8[%swap3A_87, %swap3A_88], %select_n3A_78 {strides = array<i32>} : memref<8x128xf32, #tpu.memory_space<vmem>>, vector<16xf32>,
    %swap3A_90 = arith.constant 3 : i32
    %swap3A_91 = arith.index_cast %swap3A_90 : i32 to index
    %swap3A_92 = arith.constant 0 : index
    %swap3A_93 = tpu.vector_load %arg8[%swap3A_91, %swap3A_92] {strides = array<i32>} : memref<8x128xf32, #tpu.memory_space<vmem>>, vector<16xf32>,
    tpu.vector_store %arg8[%swap3A_91, %swap3A_92], %select_n3A_78 {strides = array<i32>} : memref<8x128xf32, #tpu.memory_space<vmem>>, vector<16xf32>,
    %swap3A_94 = arith.constant 4 : i32
    %swap3A_95 = arith.index_cast %swap3A_94 : i32 to index
    %swap3A_96 = arith.constant 0 : index
    %swap3A_97 = tpu.vector_load %arg8[%swap3A_95, %swap3A_96] {strides = array<i32>} : memref<8x128xf32, #tpu.memory_space<vmem>>, vector<16xf32>,
    tpu.vector_store %arg8[%swap3A_95, %swap3A_96], %select_n3A_78 {strides = array<i32>} : memref<8x128xf32, #tpu.memory_space<vmem>>, vector<16xf32>,
    %swap3A_98 = arith.constant 5 : i32
    %swap3A_99 = arith.index_cast %swap3A_98 : i32 to index
    %swap3A_100 = arith.constant 0 : index
    %swap3A_101 = tpu.vector_load %arg8[%swap3A_99, %swap3A_100] {strides = array<i32>} : memref<8x128xf32, #tpu.memory_space<vmem>>, vector<16xf32>,
    tpu.vector_store %arg8[%swap3A_99, %swap3A_100], %select_n3A_78 {strides = array<i32>} : memref<8x128xf32, #tpu.memory_space<vmem>>, vector<16xf32>,
    %swap3A_102 = arith.constant 6 : i32
    %swap3A_103 = arith.index_cast %swap3A_102 : i32 to index
    %swap3A_104 = arith.constant 0 : index
    %swap3A_105 = tpu.vector_load %arg8[%swap3A_103, %swap3A_104] {strides = array<i32>} : memref<8x128xf32, #tpu.memory_space<vmem>>, vector<16xf32>,
    tpu.vector_store %arg8[%swap3A_103, %swap3A_104], %select_n3A_78 {strides = array<i32>} : memref<8x128xf32, #tpu.memory_space<vmem>>, vector<16xf32>,
    %swap3A_106 = arith.constant 7 : i32
    %swap3A_107 = arith.index_cast %swap3A_106 : i32 to index
    %swap3A_108 = arith.constant 0 : index
    %swap3A_109 = tpu.vector_load %arg8[%swap3A_107, %swap3A_108] {strides = array<i32>} : memref<8x128xf32, #tpu.memory_space<vmem>>, vector<16xf32>,
    tpu.vector_store %arg8[%swap3A_107, %swap3A_108], %select_n3A_78 {strides = array<i32>} : memref<8x128xf32, #tpu.memory_space<vmem>>, vector<16xf32>,
    %add3A_110 = arith.constant 16 : i32
    %add3A_111 = vector.broadcast %add3A_110 : i32 to vector<16xi32>
    %add3A_112 = arith.addi %add3A_111, %iota3A : vector<16xi32>
    %lt3A_113 = vector.broadcast %sub3A_61 : i32 to vector<16xi32>
    %lt3A_114 = arith.cmpi slt, %add3A_112, %lt3A_113 : vector<16xi32>
    %jit3A_115 = arith.constant 0.000000e+00 : f32
    %broadcast_in_dim3A_116 = vector.broadcast %reduce_sum3A_25 : f32 to vector<16xf32>
    %broadcast_in_dim3A_117 = vector.broadcast %jit3A_115 : f32 to vector<16xf32>
    %select_n3A_118 = arith.select %lt3A_114, %broadcast_in_dim3A_116, %broadcast_in_dim3A_117 : vector<16xi1>, vector<16xf32>
    %swap3A_119 = arith.constant 0 : i32
    %swap3A_120 = arith.index_cast %swap3A_119 : i32 to index
    %swap3A_121 = arith.constant 16 : index
    %swap3A_122 = tpu.vector_load %arg8[%swap3A_120, %swap3A_121] {strides = array<i32>} : memref<8x128xf32, #tpu.memory_space<vmem>>, vector<16xf32>,
    tpu.vector_store %arg8[%swap3A_120, %swap3A_121], %select_n3A_118 {strides = array<i32>} : memref<8x128xf32, #tpu.memory_space<vmem>>, vector<16xf32>,
    %swap3A_123 = arith.constant 1 : i32
    %swap3A_124 = arith.index_cast %swap3A_123 : i32 to index
    %swap3A_125 = arith.constant 16 : index
    %swap3A_126 = tpu.vector_load %arg8[%swap3A_124, %swap3A_125] {strides = array<i32>} : memref<8x128xf32, #tpu.memory_space<vmem>>, vector<16xf32>,
    tpu.vector_store %arg8[%swap3A_124, %swap3A_125], %select_n3A_118 {strides = array<i32>} : memref<8x128xf32, #tpu.memory_space<vmem>>, vector<16xf32>,
    %swap3A_127 = arith.constant 2 : i32
    %swap3A_128 = arith.index_cast %swap3A_127 : i32 to index
    %swap3A_129 = arith.constant 16 : index
    %swap3A_130 = tpu.vector_load %arg8[%swap3A_128, %swap3A_129] {strides = array<i32>} : memref<8x128xf32, #tpu.memory_space<vmem>>, vector<16xf32>,
    tpu.vector_store %arg8[%swap3A_128, %swap3A_129], %select_n3A_118 {strides = array<i32>} : memref<8x128xf32, #tpu.memory_space<vmem>>, vector<16xf32>,
    %swap3A_131 = arith.constant 3 : i32
    %swap3A_132 = arith.index_cast %swap3A_131 : i32 to index
    %swap3A_133 = arith.constant 16 : index
    %swap3A_134 = tpu.vector_load %arg8[%swap3A_132, %swap3A_133] {strides = array<i32>} : memref<8x128xf32, #tpu.memory_space<vmem>>, vector<16xf32>,
    tpu.vector_store %arg8[%swap3A_132, %swap3A_133], %select_n3A_118 {strides = array<i32>} : memref<8x128xf32, #tpu.memory_space<vmem>>, vector<16xf32>,
    %swap3A_135 = arith.constant 4 : i32
    %swap3A_136 = arith.index_cast %swap3A_135 : i32 to index
    %swap3A_137 = arith.constant 16 : index
    %swap3A_138 = tpu.vector_load %arg8[%swap3A_136, %swap3A_137] {strides = array<i32>} : memref<8x128xf32, #tpu.memory_space<vmem>>, vector<16xf32>,
    tpu.vector_store %arg8[%swap3A_136, %swap3A_137], %select_n3A_118 {strides = array<i32>} : memref<8x128xf32, #tpu.memory_space<vmem>>, vector<16xf32>,
    %swap3A_139 = arith.constant 5 : i32
    %swap3A_140 = arith.index_cast %swap3A_139 : i32 to index
    %swap3A_141 = arith.constant 16 : index
    %swap3A_142 = tpu.vector_load %arg8[%swap3A_140, %swap3A_141] {strides = array<i32>} : memref<8x128xf32, #tpu.memory_space<vmem>>, vector<16xf32>,
    tpu.vector_store %arg8[%swap3A_140, %swap3A_141], %select_n3A_118 {strides = array<i32>} : memref<8x128xf32, #tpu.memory_space<vmem>>, vector<16xf32>,
    %swap3A_143 = arith.constant 6 : i32
    %swap3A_144 = arith.index_cast %swap3A_143 : i32 to index
    %swap3A_145 = arith.constant 16 : index
    %swap3A_146 = tpu.vector_load %arg8[%swap3A_144, %swap3A_145] {strides = array<i32>} : memref<8x128xf32, #tpu.memory_space<vmem>>, vector<16xf32>,
    tpu.vector_store %arg8[%swap3A_144, %swap3A_145], %select_n3A_118 {strides = array<i32>} : memref<8x128xf32, #tpu.memory_space<vmem>>, vector<16xf32>,
    %swap3A_147 = arith.constant 7 : i32
    %swap3A_148 = arith.index_cast %swap3A_147 : i32 to index
    %swap3A_149 = arith.constant 16 : index
    %swap3A_150 = tpu.vector_load %arg8[%swap3A_148, %swap3A_149] {strides = array<i32>} : memref<8x128xf32, #tpu.memory_space<vmem>>, vector<16xf32>,
    tpu.vector_store %arg8[%swap3A_148, %swap3A_149], %select_n3A_118 {strides = array<i32>} : memref<8x128xf32, #tpu.memory_space<vmem>>, vector<16xf32>,
    %add3A_151 = arith.constant 32 : i32
    %add3A_152 = vector.broadcast %add3A_151 : i32 to vector<16xi32>
    %add3A_153 = arith.addi %add3A_152, %iota3A : vector<16xi32>
    %lt3A_154 = vector.broadcast %sub3A_61 : i32 to vector<16xi32>
    %lt3A_155 = arith.cmpi slt, %add3A_153, %lt3A_154 : vector<16xi32>
    %jit3A_156 = arith.constant 0.000000e+00 : f32
    %broadcast_in_dim3A_157 = vector.broadcast %reduce_sum3A_25 : f32 to vector<16xf32>
    %broadcast_in_dim3A_158 = vector.broadcast %jit3A_156 : f32 to vector<16xf32>
    %select_n3A_159 = arith.select %lt3A_155, %broadcast_in_dim3A_157, %broadcast_in_dim3A_158 : vector<16xi1>, vector<16xf32>
    %swap3A_160 = arith.constant 0 : i32
    %swap3A_161 = arith.index_cast %swap3A_160 : i32 to index
    %swap3A_162 = arith.constant 32 : index
    %swap3A_163 = tpu.vector_load %arg8[%swap3A_161, %swap3A_162] {strides = array<i32>} : memref<8x128xf32, #tpu.memory_space<vmem>>, vector<16xf32>,
    tpu.vector_store %arg8[%swap3A_161, %swap3A_162], %select_n3A_159 {strides = array<i32>} : memref<8x128xf32, #tpu.memory_space<vmem>>, vector<16xf32>,
    %swap3A_164 = arith.constant 1 : i32
    %swap3A_165 = arith.index_cast %swap3A_164 : i32 to index
    %swap3A_166 = arith.constant 32 : index
    %swap3A_167 = tpu.vector_load %arg8[%swap3A_165, %swap3A_166] {strides = array<i32>} : memref<8x128xf32, #tpu.memory_space<vmem>>, vector<16xf32>,
    tpu.vector_store %arg8[%swap3A_165, %swap3A_166], %select_n3A_159 {strides = array<i32>} : memref<8x128xf32, #tpu.memory_space<vmem>>, vector<16xf32>,
    %swap3A_168 = arith.constant 2 : i32
    %swap3A_169 = arith.index_cast %swap3A_168 : i32 to index
    %swap3A_170 = arith.constant 32 : index
    %swap3A_171 = tpu.vector_load %arg8[%swap3A_169, %swap3A_170] {strides = array<i32>} : memref<8x128xf32, #tpu.memory_space<vmem>>, vector<16xf32>,
    tpu.vector_store %arg8[%swap3A_169, %swap3A_170], %select_n3A_159 {strides = array<i32>} : memref<8x128xf32, #tpu.memory_space<vmem>>, vector<16xf32>,
    %swap3A_172 = arith.constant 3 : i32
    %swap3A_173 = arith.index_cast %swap3A_172 : i32 to index
    %swap3A_174 = arith.constant 32 : index
    %swap3A_175 = tpu.vector_load %arg8[%swap3A_173, %swap3A_174] {strides = array<i32>} : memref<8x128xf32, #tpu.memory_space<vmem>>, vector<16xf32>,
    tpu.vector_store %arg8[%swap3A_173, %swap3A_174], %select_n3A_159 {strides = array<i32>} : memref<8x128xf32, #tpu.memory_space<vmem>>, vector<16xf32>,
    %swap3A_176 = arith.constant 4 : i32
    %swap3A_177 = arith.index_cast %swap3A_176 : i32 to index
    %swap3A_178 = arith.constant 32 : index
    %swap3A_179 = tpu.vector_load %arg8[%swap3A_177, %swap3A_178] {strides = array<i32>} : memref<8x128xf32, #tpu.memory_space<vmem>>, vector<16xf32>,
    tpu.vector_store %arg8[%swap3A_177, %swap3A_178], %select_n3A_159 {strides = array<i32>} : memref<8x128xf32, #tpu.memory_space<vmem>>, vector<16xf32>,
    %swap3A_180 = arith.constant 5 : i32
    %swap3A_181 = arith.index_cast %swap3A_180 : i32 to index
    %swap3A_182 = arith.constant 32 : index
    %swap3A_183 = tpu.vector_load %arg8[%swap3A_181, %swap3A_182] {strides = array<i32>} : memref<8x128xf32, #tpu.memory_space<vmem>>, vector<16xf32>,
    tpu.vector_store %arg8[%swap3A_181, %swap3A_182], %select_n3A_159 {strides = array<i32>} : memref<8x128xf32, #tpu.memory_space<vmem>>, vector<16xf32>,
    %swap3A_184 = arith.constant 6 : i32
    %swap3A_185 = arith.index_cast %swap3A_184 : i32 to index
    %swap3A_186 = arith.constant 32 : index
    %swap3A_187 = tpu.vector_load %arg8[%swap3A_185, %swap3A_186] {strides = array<i32>} : memref<8x128xf32, #tpu.memory_space<vmem>>, vector<16xf32>,
    tpu.vector_store %arg8[%swap3A_185, %swap3A_186], %select_n3A_159 {strides = array<i32>} : memref<8x128xf32, #tpu.memory_space<vmem>>, vector<16xf32>,
    %swap3A_188 = arith.constant 7 : i32
    %swap3A_189 = arith.index_cast %swap3A_188 : i32 to index
    %swap3A_190 = arith.constant 32 : index
    %swap3A_191 = tpu.vector_load %arg8[%swap3A_189, %swap3A_190] {strides = array<i32>} : memref<8x128xf32, #tpu.memory_space<vmem>>, vector<16xf32>,
    tpu.vector_store %arg8[%swap3A_189, %swap3A_190], %select_n3A_159 {strides = array<i32>} : memref<8x128xf32, #tpu.memory_space<vmem>>, vector<16xf32>,
    %add3A_192 = arith.constant 48 : i32
    %add3A_193 = vector.broadcast %add3A_192 : i32 to vector<16xi32>
    %add3A_194 = arith.addi %add3A_193, %iota3A : vector<16xi32>
    %lt3A_195 = vector.broadcast %sub3A_61 : i32 to vector<16xi32>
    %lt3A_196 = arith.cmpi slt, %add3A_194, %lt3A_195 : vector<16xi32>
    %jit3A_197 = arith.constant 0.000000e+00 : f32
    %broadcast_in_dim3A_198 = vector.broadcast %reduce_sum3A_25 : f32 to vector<16xf32>
    %broadcast_in_dim3A_199 = vector.broadcast %jit3A_197 : f32 to vector<16xf32>
    %select_n3A_200 = arith.select %lt3A_196, %broadcast_in_dim3A_198, %broadcast_in_dim3A_199 : vector<16xi1>, vector<16xf32>
    %swap3A_201 = arith.constant 0 : i32
    %swap3A_202 = arith.index_cast %swap3A_201 : i32 to index
    %swap3A_203 = arith.constant 48 : index
    %swap3A_204 = tpu.vector_load %arg8[%swap3A_202, %swap3A_203] {strides = array<i32>} : memref<8x128xf32, #tpu.memory_space<vmem>>, vector<16xf32>,
    tpu.vector_store %arg8[%swap3A_202, %swap3A_203], %select_n3A_200 {strides = array<i32>} : memref<8x128xf32, #tpu.memory_space<vmem>>, vector<16xf32>,
    %swap3A_205 = arith.constant 1 : i32
    %swap3A_206 = arith.index_cast %swap3A_205 : i32 to index
    %swap3A_207 = arith.constant 48 : index
    %swap3A_208 = tpu.vector_load %arg8[%swap3A_206, %swap3A_207] {strides = array<i32>} : memref<8x128xf32, #tpu.memory_space<vmem>>, vector<16xf32>,
    tpu.vector_store %arg8[%swap3A_206, %swap3A_207], %select_n3A_200 {strides = array<i32>} : memref<8x128xf32, #tpu.memory_space<vmem>>, vector<16xf32>,
    %swap3A_209 = arith.constant 2 : i32
    %swap3A_210 = arith.index_cast %swap3A_209 : i32 to index
    %swap3A_211 = arith.constant 48 : index
    %swap3A_212 = tpu.vector_load %arg8[%swap3A_210, %swap3A_211] {strides = array<i32>} : memref<8x128xf32, #tpu.memory_space<vmem>>, vector<16xf32>,
    tpu.vector_store %arg8[%swap3A_210, %swap3A_211], %select_n3A_200 {strides = array<i32>} : memref<8x128xf32, #tpu.memory_space<vmem>>, vector<16xf32>,
    %swap3A_213 = arith.constant 3 : i32
    %swap3A_214 = arith.index_cast %swap3A_213 : i32 to index
    %swap3A_215 = arith.constant 48 : index
    %swap3A_216 = tpu.vector_load %arg8[%swap3A_214, %swap3A_215] {strides = array<i32>} : memref<8x128xf32, #tpu.memory_space<vmem>>, vector<16xf32>,
    tpu.vector_store %arg8[%swap3A_214, %swap3A_215], %select_n3A_200 {strides = array<i32>} : memref<8x128xf32, #tpu.memory_space<vmem>>, vector<16xf32>,
    %swap3A_217 = arith.constant 4 : i32
    %swap3A_218 = arith.index_cast %swap3A_217 : i32 to index
    %swap3A_219 = arith.constant 48 : index
    %swap3A_220 = tpu.vector_load %arg8[%swap3A_218, %swap3A_219] {strides = array<i32>} : memref<8x128xf32, #tpu.memory_space<vmem>>, vector<16xf32>,
    tpu.vector_store %arg8[%swap3A_218, %swap3A_219], %select_n3A_200 {strides = array<i32>} : memref<8x128xf32, #tpu.memory_space<vmem>>, vector<16xf32>,
    %swap3A_221 = arith.constant 5 : i32
    %swap3A_222 = arith.index_cast %swap3A_221 : i32 to index
    %swap3A_223 = arith.constant 48 : index
    %swap3A_224 = tpu.vector_load %arg8[%swap3A_222, %swap3A_223] {strides = array<i32>} : memref<8x128xf32, #tpu.memory_space<vmem>>, vector<16xf32>,
    tpu.vector_store %arg8[%swap3A_222, %swap3A_223], %select_n3A_200 {strides = array<i32>} : memref<8x128xf32, #tpu.memory_space<vmem>>, vector<16xf32>,
    %swap3A_225 = arith.constant 6 : i32
    %swap3A_226 = arith.index_cast %swap3A_225 : i32 to index
    %swap3A_227 = arith.constant 48 : index
    %swap3A_228 = tpu.vector_load %arg8[%swap3A_226, %swap3A_227] {strides = array<i32>} : memref<8x128xf32, #tpu.memory_space<vmem>>, vector<16xf32>,
    tpu.vector_store %arg8[%swap3A_226, %swap3A_227], %select_n3A_200 {strides = array<i32>} : memref<8x128xf32, #tpu.memory_space<vmem>>, vector<16xf32>,
    %swap3A_229 = arith.constant 7 : i32
    %swap3A_230 = arith.index_cast %swap3A_229 : i32 to index
    %swap3A_231 = arith.constant 48 : index
    %swap3A_232 = tpu.vector_load %arg8[%swap3A_230, %swap3A_231] {strides = array<i32>} : memref<8x128xf32, #tpu.memory_space<vmem>>, vector<16xf32>,
    tpu.vector_store %arg8[%swap3A_230, %swap3A_231], %select_n3A_200 {strides = array<i32>} : memref<8x128xf32, #tpu.memory_space<vmem>>, vector<16xf32>,
    %add3A_233 = arith.constant 64 : i32
    %add3A_234 = vector.broadcast %add3A_233 : i32 to vector<16xi32>
    %add3A_235 = arith.addi %add3A_234, %iota3A : vector<16xi32>
    %lt3A_236 = vector.broadcast %sub3A_61 : i32 to vector<16xi32>
    %lt3A_237 = arith.cmpi slt, %add3A_235, %lt3A_236 : vector<16xi32>
    %jit3A_238 = arith.constant 0.000000e+00 : f32
    %broadcast_in_dim3A_239 = vector.broadcast %reduce_sum3A_25 : f32 to vector<16xf32>
    %broadcast_in_dim3A_240 = vector.broadcast %jit3A_238 : f32 to vector<16xf32>
    %select_n3A_241 = arith.select %lt3A_237, %broadcast_in_dim3A_239, %broadcast_in_dim3A_240 : vector<16xi1>, vector<16xf32>
    %swap3A_242 = arith.constant 0 : i32
    %swap3A_243 = arith.index_cast %swap3A_242 : i32 to index
    %swap3A_244 = arith.constant 64 : index
    %swap3A_245 = tpu.vector_load %arg8[%swap3A_243, %swap3A_244] {strides = array<i32>} : memref<8x128xf32, #tpu.memory_space<vmem>>, vector<16xf32>,
    tpu.vector_store %arg8[%swap3A_243, %swap3A_244], %select_n3A_241 {strides = array<i32>} : memref<8x128xf32, #tpu.memory_space<vmem>>, vector<16xf32>,
    %swap3A_246 = arith.constant 1 : i32
    %swap3A_247 = arith.index_cast %swap3A_246 : i32 to index
    %swap3A_248 = arith.constant 64 : index
    %swap3A_249 = tpu.vector_load %arg8[%swap3A_247, %swap3A_248] {strides = array<i32>} : memref<8x128xf32, #tpu.memory_space<vmem>>, vector<16xf32>,
    tpu.vector_store %arg8[%swap3A_247, %swap3A_248], %select_n3A_241 {strides = array<i32>} : memref<8x128xf32, #tpu.memory_space<vmem>>, vector<16xf32>,
    %swap3A_250 = arith.constant 2 : i32
    %swap3A_251 = arith.index_cast %swap3A_250 : i32 to index
    %swap3A_252 = arith.constant 64 : index
    %swap3A_253 = tpu.vector_load %arg8[%swap3A_251, %swap3A_252] {strides = array<i32>} : memref<8x128xf32, #tpu.memory_space<vmem>>, vector<16xf32>,
    tpu.vector_store %arg8[%swap3A_251, %swap3A_252], %select_n3A_241 {strides = array<i32>} : memref<8x128xf32, #tpu.memory_space<vmem>>, vector<16xf32>,
    %swap3A_254 = arith.constant 3 : i32
    %swap3A_255 = arith.index_cast %swap3A_254 : i32 to index
    %swap3A_256 = arith.constant 64 : index
    %swap3A_257 = tpu.vector_load %arg8[%swap3A_255, %swap3A_256] {strides = array<i32>} : memref<8x128xf32, #tpu.memory_space<vmem>>, vector<16xf32>,
    tpu.vector_store %arg8[%swap3A_255, %swap3A_256], %select_n3A_241 {strides = array<i32>} : memref<8x128xf32, #tpu.memory_space<vmem>>, vector<16xf32>,
    %swap3A_258 = arith.constant 4 : i32
    %swap3A_259 = arith.index_cast %swap3A_258 : i32 to index
    %swap3A_260 = arith.constant 64 : index
    %swap3A_261 = tpu.vector_load %arg8[%swap3A_259, %swap3A_260] {strides = array<i32>} : memref<8x128xf32, #tpu.memory_space<vmem>>, vector<16xf32>,
    tpu.vector_store %arg8[%swap3A_259, %swap3A_260], %select_n3A_241 {strides = array<i32>} : memref<8x128xf32, #tpu.memory_space<vmem>>, vector<16xf32>,
    %swap3A_262 = arith.constant 5 : i32
    %swap3A_263 = arith.index_cast %swap3A_262 : i32 to index
    %swap3A_264 = arith.constant 64 : index
    %swap3A_265 = tpu.vector_load %arg8[%swap3A_263, %swap3A_264] {strides = array<i32>} : memref<8x128xf32, #tpu.memory_space<vmem>>, vector<16xf32>,
    tpu.vector_store %arg8[%swap3A_263, %swap3A_264], %select_n3A_241 {strides = array<i32>} : memref<8x128xf32, #tpu.memory_space<vmem>>, vector<16xf32>,
    %swap3A_266 = arith.constant 6 : i32
    %swap3A_267 = arith.index_cast %swap3A_266 : i32 to index
    %swap3A_268 = arith.constant 64 : index
    %swap3A_269 = tpu.vector_load %arg8[%swap3A_267, %swap3A_268] {strides = array<i32>} : memref<8x128xf32, #tpu.memory_space<vmem>>, vector<16xf32>,
    tpu.vector_store %arg8[%swap3A_267, %swap3A_268], %select_n3A_241 {strides = array<i32>} : memref<8x128xf32, #tpu.memory_space<vmem>>, vector<16xf32>,
    %swap3A_270 = arith.constant 7 : i32
    %swap3A_271 = arith.index_cast %swap3A_270 : i32 to index
    %swap3A_272 = arith.constant 64 : index
    %swap3A_273 = tpu.vector_load %arg8[%swap3A_271, %swap3A_272] {strides = array<i32>} : memref<8x128xf32, #tpu.memory_space<vmem>>, vector<16xf32>,
    tpu.vector_store %arg8[%swap3A_271, %swap3A_272], %select_n3A_241 {strides = array<i32>} : memref<8x128xf32, #tpu.memory_space<vmem>>, vector<16xf32>,
    %add3A_274 = arith.constant 80 : i32
    %add3A_275 = vector.broadcast %add3A_274 : i32 to vector<16xi32>
    %add3A_276 = arith.addi %add3A_275, %iota3A : vector<16xi32>
    %lt3A_277 = vector.broadcast %sub3A_61 : i32 to vector<16xi32>
    %lt3A_278 = arith.cmpi slt, %add3A_276, %lt3A_277 : vector<16xi32>
    %jit3A_279 = arith.constant 0.000000e+00 : f32
    %broadcast_in_dim3A_280 = vector.broadcast %reduce_sum3A_25 : f32 to vector<16xf32>
    %broadcast_in_dim3A_281 = vector.broadcast %jit3A_279 : f32 to vector<16xf32>
    %select_n3A_282 = arith.select %lt3A_278, %broadcast_in_dim3A_280, %broadcast_in_dim3A_281 : vector<16xi1>, vector<16xf32>
    %swap3A_283 = arith.constant 0 : i32
    %swap3A_284 = arith.index_cast %swap3A_283 : i32 to index
    %swap3A_285 = arith.constant 80 : index
    %swap3A_286 = tpu.vector_load %arg8[%swap3A_284, %swap3A_285] {strides = array<i32>} : memref<8x128xf32, #tpu.memory_space<vmem>>, vector<16xf32>,
    tpu.vector_store %arg8[%swap3A_284, %swap3A_285], %select_n3A_282 {strides = array<i32>} : memref<8x128xf32, #tpu.memory_space<vmem>>, vector<16xf32>,
    %swap3A_287 = arith.constant 1 : i32
    %swap3A_288 = arith.index_cast %swap3A_287 : i32 to index
    %swap3A_289 = arith.constant 80 : index
    %swap3A_290 = tpu.vector_load %arg8[%swap3A_288, %swap3A_289] {strides = array<i32>} : memref<8x128xf32, #tpu.memory_space<vmem>>, vector<16xf32>,
    tpu.vector_store %arg8[%swap3A_288, %swap3A_289], %select_n3A_282 {strides = array<i32>} : memref<8x128xf32, #tpu.memory_space<vmem>>, vector<16xf32>,
    %swap3A_291 = arith.constant 2 : i32
    %swap3A_292 = arith.index_cast %swap3A_291 : i32 to index
    %swap3A_293 = arith.constant 80 : index
    %swap3A_294 = tpu.vector_load %arg8[%swap3A_292, %swap3A_293] {strides = array<i32>} : memref<8x128xf32, #tpu.memory_space<vmem>>, vector<16xf32>,
    tpu.vector_store %arg8[%swap3A_292, %swap3A_293], %select_n3A_282 {strides = array<i32>} : memref<8x128xf32, #tpu.memory_space<vmem>>, vector<16xf32>,
    %swap3A_295 = arith.constant 3 : i32
    %swap3A_296 = arith.index_cast %swap3A_295 : i32 to index
    %swap3A_297 = arith.constant 80 : index
    %swap3A_298 = tpu.vector_load %arg8[%swap3A_296, %swap3A_297] {strides = array<i32>} : memref<8x128xf32, #tpu.memory_space<vmem>>, vector<16xf32>,
    tpu.vector_store %arg8[%swap3A_296, %swap3A_297], %select_n3A_282 {strides = array<i32>} : memref<8x128xf32, #tpu.memory_space<vmem>>, vector<16xf32>,
    %swap3A_299 = arith.constant 4 : i32
    %swap3A_300 = arith.index_cast %swap3A_299 : i32 to index
    %swap3A_301 = arith.constant 80 : index
    %swap3A_302 = tpu.vector_load %arg8[%swap3A_300, %swap3A_301] {strides = array<i32>} : memref<8x128xf32, #tpu.memory_space<vmem>>, vector<16xf32>,
    tpu.vector_store %arg8[%swap3A_300, %swap3A_301], %select_n3A_282 {strides = array<i32>} : memref<8x128xf32, #tpu.memory_space<vmem>>, vector<16xf32>,
    %swap3A_303 = arith.constant 5 : i32
    %swap3A_304 = arith.index_cast %swap3A_303 : i32 to index
    %swap3A_305 = arith.constant 80 : index
    %swap3A_306 = tpu.vector_load %arg8[%swap3A_304, %swap3A_305] {strides = array<i32>} : memref<8x128xf32, #tpu.memory_space<vmem>>, vector<16xf32>,
    tpu.vector_store %arg8[%swap3A_304, %swap3A_305], %select_n3A_282 {strides = array<i32>} : memref<8x128xf32, #tpu.memory_space<vmem>>, vector<16xf32>,
    %swap3A_307 = arith.constant 6 : i32
    %swap3A_308 = arith.index_cast %swap3A_307 : i32 to index
    %swap3A_309 = arith.constant 80 : index
    %swap3A_310 = tpu.vector_load %arg8[%swap3A_308, %swap3A_309] {strides = array<i32>} : memref<8x128xf32, #tpu.memory_space<vmem>>, vector<16xf32>,
    tpu.vector_store %arg8[%swap3A_308, %swap3A_309], %select_n3A_282 {strides = array<i32>} : memref<8x128xf32, #tpu.memory_space<vmem>>, vector<16xf32>,
    %swap3A_311 = arith.constant 7 : i32
    %swap3A_312 = arith.index_cast %swap3A_311 : i32 to index
    %swap3A_313 = arith.constant 80 : index
    %swap3A_314 = tpu.vector_load %arg8[%swap3A_312, %swap3A_313] {strides = array<i32>} : memref<8x128xf32, #tpu.memory_space<vmem>>, vector<16xf32>,
    tpu.vector_store %arg8[%swap3A_312, %swap3A_313], %select_n3A_282 {strides = array<i32>} : memref<8x128xf32, #tpu.memory_space<vmem>>, vector<16xf32>,
    %add3A_315 = arith.constant 96 : i32
    %add3A_316 = vector.broadcast %add3A_315 : i32 to vector<16xi32>
    %add3A_317 = arith.addi %add3A_316, %iota3A : vector<16xi32>
    %lt3A_318 = vector.broadcast %sub3A_61 : i32 to vector<16xi32>
    %lt3A_319 = arith.cmpi slt, %add3A_317, %lt3A_318 : vector<16xi32>
    %jit3A_320 = arith.constant 0.000000e+00 : f32
    %broadcast_in_dim3A_321 = vector.broadcast %reduce_sum3A_25 : f32 to vector<16xf32>
    %broadcast_in_dim3A_322 = vector.broadcast %jit3A_320 : f32 to vector<16xf32>
    %select_n3A_323 = arith.select %lt3A_319, %broadcast_in_dim3A_321, %broadcast_in_dim3A_322 : vector<16xi1>, vector<16xf32>
    %swap3A_324 = arith.constant 0 : i32
    %swap3A_325 = arith.index_cast %swap3A_324 : i32 to index
    %swap3A_326 = arith.constant 96 : index
    %swap3A_327 = tpu.vector_load %arg8[%swap3A_325, %swap3A_326] {strides = array<i32>} : memref<8x128xf32, #tpu.memory_space<vmem>>, vector<16xf32>,
    tpu.vector_store %arg8[%swap3A_325, %swap3A_326], %select_n3A_323 {strides = array<i32>} : memref<8x128xf32, #tpu.memory_space<vmem>>, vector<16xf32>,
    %swap3A_328 = arith.constant 1 : i32
    %swap3A_329 = arith.index_cast %swap3A_328 : i32 to index
    %swap3A_330 = arith.constant 96 : index
    %swap3A_331 = tpu.vector_load %arg8[%swap3A_329, %swap3A_330] {strides = array<i32>} : memref<8x128xf32, #tpu.memory_space<vmem>>, vector<16xf32>,
    tpu.vector_store %arg8[%swap3A_329, %swap3A_330], %select_n3A_323 {strides = array<i32>} : memref<8x128xf32, #tpu.memory_space<vmem>>, vector<16xf32>,
    %swap3A_332 = arith.constant 2 : i32
    %swap3A_333 = arith.index_cast %swap3A_332 : i32 to index
    %swap3A_334 = arith.constant 96 : index
    %swap3A_335 = tpu.vector_load %arg8[%swap3A_333, %swap3A_334] {strides = array<i32>} : memref<8x128xf32, #tpu.memory_space<vmem>>, vector<16xf32>,
    tpu.vector_store %arg8[%swap3A_333, %swap3A_334], %select_n3A_323 {strides = array<i32>} : memref<8x128xf32, #tpu.memory_space<vmem>>, vector<16xf32>,
    %swap3A_336 = arith.constant 3 : i32
    %swap3A_337 = arith.index_cast %swap3A_336 : i32 to index
    %swap3A_338 = arith.constant 96 : index
    %swap3A_339 = tpu.vector_load %arg8[%swap3A_337, %swap3A_338] {strides = array<i32>} : memref<8x128xf32, #tpu.memory_space<vmem>>, vector<16xf32>,
    tpu.vector_store %arg8[%swap3A_337, %swap3A_338], %select_n3A_323 {strides = array<i32>} : memref<8x128xf32, #tpu.memory_space<vmem>>, vector<16xf32>,
    %swap3A_340 = arith.constant 4 : i32
    %swap3A_341 = arith.index_cast %swap3A_340 : i32 to index
    %swap3A_342 = arith.constant 96 : index
    %swap3A_343 = tpu.vector_load %arg8[%swap3A_341, %swap3A_342] {strides = array<i32>} : memref<8x128xf32, #tpu.memory_space<vmem>>, vector<16xf32>,
    tpu.vector_store %arg8[%swap3A_341, %swap3A_342], %select_n3A_323 {strides = array<i32>} : memref<8x128xf32, #tpu.memory_space<vmem>>, vector<16xf32>,
    %swap3A_344 = arith.constant 5 : i32
    %swap3A_345 = arith.index_cast %swap3A_344 : i32 to index
    %swap3A_346 = arith.constant 96 : index
    %swap3A_347 = tpu.vector_load %arg8[%swap3A_345, %swap3A_346] {strides = array<i32>} : memref<8x128xf32, #tpu.memory_space<vmem>>, vector<16xf32>,
    tpu.vector_store %arg8[%swap3A_345, %swap3A_346], %select_n3A_323 {strides = array<i32>} : memref<8x128xf32, #tpu.memory_space<vmem>>, vector<16xf32>,
    %swap3A_348 = arith.constant 6 : i32
    %swap3A_349 = arith.index_cast %swap3A_348 : i32 to index
    %swap3A_350 = arith.constant 96 : index
    %swap3A_351 = tpu.vector_load %arg8[%swap3A_349, %swap3A_350] {strides = array<i32>} : memref<8x128xf32, #tpu.memory_space<vmem>>, vector<16xf32>,
    tpu.vector_store %arg8[%swap3A_349, %swap3A_350], %select_n3A_323 {strides = array<i32>} : memref<8x128xf32, #tpu.memory_space<vmem>>, vector<16xf32>,
    %swap3A_352 = arith.constant 7 : i32
    %swap3A_353 = arith.index_cast %swap3A_352 : i32 to index
    %swap3A_354 = arith.constant 96 : index
    %swap3A_355 = tpu.vector_load %arg8[%swap3A_353, %swap3A_354] {strides = array<i32>} : memref<8x128xf32, #tpu.memory_space<vmem>>, vector<16xf32>,
    tpu.vector_store %arg8[%swap3A_353, %swap3A_354], %select_n3A_323 {strides = array<i32>} : memref<8x128xf32, #tpu.memory_space<vmem>>, vector<16xf32>,
    %add3A_356 = arith.constant 112 : i32
    %add3A_357 = vector.broadcast %add3A_356 : i32 to vector<16xi32>
    %add3A_358 = arith.addi %add3A_357, %iota3A : vector<16xi32>
    %lt3A_359 = vector.broadcast %sub3A_61 : i32 to vector<16xi32>
    %lt3A_360 = arith.cmpi slt, %add3A_358, %lt3A_359 : vector<16xi32>
    %jit3A_361 = arith.constant 0.000000e+00 : f32
    %broadcast_in_dim3A_362 = vector.broadcast %reduce_sum3A_25 : f32 to vector<16xf32>
    %broadcast_in_dim3A_363 = vector.broadcast %jit3A_361 : f32 to vector<16xf32>
    %select_n3A_364 = arith.select %lt3A_360, %broadcast_in_dim3A_362, %broadcast_in_dim3A_363 : vector<16xi1>, vector<16xf32>
    %swap3A_365 = arith.constant 0 : i32
    %swap3A_366 = arith.index_cast %swap3A_365 : i32 to index
    %swap3A_367 = arith.constant 112 : index
    %swap3A_368 = tpu.vector_load %arg8[%swap3A_366, %swap3A_367] {strides = array<i32>} : memref<8x128xf32, #tpu.memory_space<vmem>>, vector<16xf32>,
    tpu.vector_store %arg8[%swap3A_366, %swap3A_367], %select_n3A_364 {strides = array<i32>} : memref<8x128xf32, #tpu.memory_space<vmem>>, vector<16xf32>,
    %swap3A_369 = arith.constant 1 : i32
    %swap3A_370 = arith.index_cast %swap3A_369 : i32 to index
    %swap3A_371 = arith.constant 112 : index
    %swap3A_372 = tpu.vector_load %arg8[%swap3A_370, %swap3A_371] {strides = array<i32>} : memref<8x128xf32, #tpu.memory_space<vmem>>, vector<16xf32>,
    tpu.vector_store %arg8[%swap3A_370, %swap3A_371], %select_n3A_364 {strides = array<i32>} : memref<8x128xf32, #tpu.memory_space<vmem>>, vector<16xf32>,
    %swap3A_373 = arith.constant 2 : i32
    %swap3A_374 = arith.index_cast %swap3A_373 : i32 to index
    %swap3A_375 = arith.constant 112 : index
    %swap3A_376 = tpu.vector_load %arg8[%swap3A_374, %swap3A_375] {strides = array<i32>} : memref<8x128xf32, #tpu.memory_space<vmem>>, vector<16xf32>,
    tpu.vector_store %arg8[%swap3A_374, %swap3A_375], %select_n3A_364 {strides = array<i32>} : memref<8x128xf32, #tpu.memory_space<vmem>>, vector<16xf32>,
    %swap3A_377 = arith.constant 3 : i32
    %swap3A_378 = arith.index_cast %swap3A_377 : i32 to index
    %swap3A_379 = arith.constant 112 : index
    %swap3A_380 = tpu.vector_load %arg8[%swap3A_378, %swap3A_379] {strides = array<i32>} : memref<8x128xf32, #tpu.memory_space<vmem>>, vector<16xf32>,
    tpu.vector_store %arg8[%swap3A_378, %swap3A_379], %select_n3A_364 {strides = array<i32>} : memref<8x128xf32, #tpu.memory_space<vmem>>, vector<16xf32>,
    %swap3A_381 = arith.constant 4 : i32
    %swap3A_382 = arith.index_cast %swap3A_381 : i32 to index
    %swap3A_383 = arith.constant 112 : index
    %swap3A_384 = tpu.vector_load %arg8[%swap3A_382, %swap3A_383] {strides = array<i32>} : memref<8x128xf32, #tpu.memory_space<vmem>>, vector<16xf32>,
    tpu.vector_store %arg8[%swap3A_382, %swap3A_383], %select_n3A_364 {strides = array<i32>} : memref<8x128xf32, #tpu.memory_space<vmem>>, vector<16xf32>,
    %swap3A_385 = arith.constant 5 : i32
    %swap3A_386 = arith.index_cast %swap3A_385 : i32 to index
    %swap3A_387 = arith.constant 112 : index
    %swap3A_388 = tpu.vector_load %arg8[%swap3A_386, %swap3A_387] {strides = array<i32>} : memref<8x128xf32, #tpu.memory_space<vmem>>, vector<16xf32>,
    tpu.vector_store %arg8[%swap3A_386, %swap3A_387], %select_n3A_364 {strides = array<i32>} : memref<8x128xf32, #tpu.memory_space<vmem>>, vector<16xf32>,
    %swap3A_389 = arith.constant 6 : i32
    %swap3A_390 = arith.index_cast %swap3A_389 : i32 to index
    %swap3A_391 = arith.constant 112 : index
    %swap3A_392 = tpu.vector_load %arg8[%swap3A_390, %swap3A_391] {strides = array<i32>} : memref<8x128xf32, #tpu.memory_space<vmem>>, vector<16xf32>,
    tpu.vector_store %arg8[%swap3A_390, %swap3A_391], %select_n3A_364 {strides = array<i32>} : memref<8x128xf32, #tpu.memory_space<vmem>>, vector<16xf32>,
    %swap3A_393 = arith.constant 7 : i32
    %swap3A_394 = arith.index_cast %swap3A_393 : i32 to index
    %swap3A_395 = arith.constant 112 : index
    %swap3A_396 = tpu.vector_load %arg8[%swap3A_394, %swap3A_395] {strides = array<i32>} : memref<8x128xf32, #tpu.memory_space<vmem>>, vector<16xf32>,
    tpu.vector_store %arg8[%swap3A_394, %swap3A_395], %select_n3A_364 {strides = array<i32>} : memref<8x128xf32, #tpu.memory_space<vmem>>, vector<16xf32>,
    %mul3A_397 = arith.constant 1 : i32
    %mul3A_398 = arith.muli %add3A, %mul3A_397 : i32
    %add3A_399 = arith.constant 0 : i32
    %add3A_400 = arith.addi %mul3A_398, %add3A_399 : i32
    %jit3A_401 = arith.constant 8 : i32
    %eq3A_402 = arith.constant 0 : i32
    %eq3A_403 = arith.cmpi eq, %jit3A_401, %eq3A_402 : i32
    %jit3A_404 = arith.constant 1 : i32
    %select_n3A_405 = arith.select %eq3A_403, %jit3A_404, %jit3A_401 : i32
    %rem3A_406 = arith.remsi %add3A_400, %select_n3A_405 : i32
    %ne3A_407 = arith.constant 0 : i32
    %ne3A_408 = arith.cmpi ne, %rem3A_406, %ne3A_407 : i32
    %lt3A_409 = arith.constant 0 : i32
    %lt3A_410 = arith.cmpi slt, %rem3A_406, %lt3A_409 : i32
    %lt3A_411 = arith.constant 0 : i32
    %lt3A_412 = arith.cmpi slt, %select_n3A_405, %lt3A_411 : i32
    %ne3A_413 = arith.xori %lt3A_410, %lt3A_412 : i1
    %and3A_414 = arith.andi %ne3A_413, %ne3A_408 : i1
    %add3A_415 = arith.addi %rem3A_406, %select_n3A_405 : i32
    %select_n3A_416 = arith.select %and3A_414, %add3A_415, %rem3A_406 : i32
    %mul3A_417 = arith.constant 128 : i32
    %mul3A_418 = arith.muli %select_n3A_58, %mul3A_417 : i32
    %sub3A_419 = arith.constant 1024 : i32
    %sub3A_420 = arith.subi %sub3A_419, %mul3A_418 : i32
    %jit3A_421 = arith.constant 0 : i32
    %jit3A_422 = arith.constant 1024 : i32
    %max3A = arith.maxsi %jit3A_421, %sub3A_420 : i32
    %min3A = arith.minsi %jit3A_422, %max3A : i32
    %multiple_of3A = tpu.assume_multiple %min3A, 128 : i32
    %mul3A_423 = arith.constant 8 : i32
    %mul3A_424 = arith.muli %select_n3A_416, %mul3A_423 : i32
    %dma_start3A = arith.constant 0 : i32
    %dma_start3A_425 = tpu.memref_slice %arg7[%dma_start3A, %multiple_of3A] : memref<8x2048xf32, #tpu.memory_space<vmem>> -> memref<8x1024xf32, #tpu.memory_space<vmem>>
    %dma_start3A_426 = arith.constant 0 : i32
    %dma_start3A_427 = tpu.memref_slice %arg4[%select_n3A, %mul3A_424, %dma_start3A_426] : memref<4x64x4096xf32, #tpu.memory_space<hbm>> -> memref<1x8x1024xf32, #tpu.memory_space<hbm>>
    %dma_start3A_428 = tpu.memref_squeeze %dma_start3A_427 : memref<1x8x1024xf32, #tpu.memory_space<hbm>> -> memref<8x1024xf32, #tpu.memory_space<hbm>>
    %dma_start3A_429 = arith.constant 0 : i32
    %dma_start3A_430 = tpu.memref_slice %arg4[%select_n3A, %mul3A_424, %dma_start3A_429] : memref<4x64x4096xf32, #tpu.memory_space<hbm>> -> memref<1x8x1024xf32, #tpu.memory_space<hbm>>
    %dma_start3A_431 = tpu.memref_squeeze %dma_start3A_430 : memref<1x8x1024xf32, #tpu.memory_space<hbm>> -> memref<8x1024xf32, #tpu.memory_space<hbm>>
    %dma_start3A_432 = arith.constant 0 : i32
    %dma_start3A_433 = tpu.memref_slice %arg7[%dma_start3A_432, %multiple_of3A] : memref<8x2048xf32, #tpu.memory_space<vmem>> -> memref<8x1024xf32, #tpu.memory_space<vmem>>
    tpu.enqueue_dma source(%dma_start3A_433 : memref<8x1024xf32, #tpu.memory_space<vmem>>) target(%dma_start3A_431 : memref<8x1024xf32, #tpu.memory_space<hbm>>) target_semaphore(%arg9 : memref<!tpu.dma_semaphore, #tpu.memory_space<semaphore_mem>>)
    %mul3A_434 = arith.constant 128 : i32
    %mul3A_435 = arith.muli %select_n3A_58, %mul3A_434 : i32
    %sub3A_436 = arith.constant 2048 : i32
    %sub3A_437 = arith.subi %sub3A_436, %mul3A_435 : i32
    %jit3A_438 = arith.constant 0 : i32
    %jit3A_439 = arith.constant 1024 : i32
    %max3A_440 = arith.maxsi %jit3A_438, %sub3A_437 : i32
    %min3A_441 = arith.minsi %jit3A_439, %max3A_440 : i32
    %multiple_of3A_442 = tpu.assume_multiple %min3A_441, 128 : i32
    %mul3A_443 = arith.constant 8 : i32
    %mul3A_444 = arith.muli %select_n3A_416, %mul3A_443 : i32
    %dma_start3A_445 = arith.constant 0 : i32
    %dma_start3A_446 = tpu.memref_slice %arg7[%dma_start3A_445, %multiple_of3A_442] : memref<8x2048xf32, #tpu.memory_space<vmem>> -> memref<8x1024xf32, #tpu.memory_space<vmem>>
    %dma_start3A_447 = arith.constant 1024 : i32
    %dma_start3A_448 = tpu.memref_slice %arg4[%select_n3A, %mul3A_444, %dma_start3A_447] : memref<4x64x4096xf32, #tpu.memory_space<hbm>> -> memref<1x8x1024xf32, #tpu.memory_space<hbm>>
    %dma_start3A_449 = tpu.memref_squeeze %dma_start3A_448 : memref<1x8x1024xf32, #tpu.memory_space<hbm>> -> memref<8x1024xf32, #tpu.memory_space<hbm>>
    %dma_start3A_450 = arith.constant 1024 : i32
    %dma_start3A_451 = tpu.memref_slice %arg4[%select_n3A, %mul3A_444, %dma_start3A_450] : memref<4x64x4096xf32, #tpu.memory_space<hbm>> -> memref<1x8x1024xf32, #tpu.memory_space<hbm>>
    %dma_start3A_452 = tpu.memref_squeeze %dma_start3A_451 : memref<1x8x1024xf32, #tpu.memory_space<hbm>> -> memref<8x1024xf32, #tpu.memory_space<hbm>>
    %dma_start3A_453 = arith.constant 0 : i32
    %dma_start3A_454 = tpu.memref_slice %arg7[%dma_start3A_453, %multiple_of3A_442] : memref<8x2048xf32, #tpu.memory_space<vmem>> -> memref<8x1024xf32, #tpu.memory_space<vmem>>
    tpu.enqueue_dma source(%dma_start3A_454 : memref<8x1024xf32, #tpu.memory_space<vmem>>) target(%dma_start3A_452 : memref<8x1024xf32, #tpu.memory_space<hbm>>) target_semaphore(%arg9 : memref<!tpu.dma_semaphore, #tpu.memory_space<semaphore_mem>>)
    %mul3A_455 = arith.constant 128 : i32
    %mul3A_456 = arith.muli %select_n3A_58, %mul3A_455 : i32
    %sub3A_457 = arith.constant 3072 : i32
    %sub3A_458 = arith.subi %sub3A_457, %mul3A_456 : i32
    %jit3A_459 = arith.constant 0 : i32
    %jit3A_460 = arith.constant 1024 : i32
    %max3A_461 = arith.maxsi %jit3A_459, %sub3A_458 : i32
    %min3A_462 = arith.minsi %jit3A_460, %max3A_461 : i32
    %multiple_of3A_463 = tpu.assume_multiple %min3A_462, 128 : i32
    %mul3A_464 = arith.constant 8 : i32
    %mul3A_465 = arith.muli %select_n3A_416, %mul3A_464 : i32
    %dma_start3A_466 = arith.constant 0 : i32
    %dma_start3A_467 = tpu.memref_slice %arg7[%dma_start3A_466, %multiple_of3A_463] : memref<8x2048xf32, #tpu.memory_space<vmem>> -> memref<8x1024xf32, #tpu.memory_space<vmem>>
    %dma_start3A_468 = arith.constant 2048 : i32
    %dma_start3A_469 = tpu.memref_slice %arg4[%select_n3A, %mul3A_465, %dma_start3A_468] : memref<4x64x4096xf32, #tpu.memory_space<hbm>> -> memref<1x8x1024xf32, #tpu.memory_space<hbm>>
    %dma_start3A_470 = tpu.memref_squeeze %dma_start3A_469 : memref<1x8x1024xf32, #tpu.memory_space<hbm>> -> memref<8x1024xf32, #tpu.memory_space<hbm>>
    %dma_start3A_471 = arith.constant 2048 : i32
    %dma_start3A_472 = tpu.memref_slice %arg4[%select_n3A, %mul3A_465, %dma_start3A_471] : memref<4x64x4096xf32, #tpu.memory_space<hbm>> -> memref<1x8x1024xf32, #tpu.memory_space<hbm>>
    %dma_start3A_473 = tpu.memref_squeeze %dma_start3A_472 : memref<1x8x1024xf32, #tpu.memory_space<hbm>> -> memref<8x1024xf32, #tpu.memory_space<hbm>>
    %dma_start3A_474 = arith.constant 0 : i32
    %dma_start3A_475 = tpu.memref_slice %arg7[%dma_start3A_474, %multiple_of3A_463] : memref<8x2048xf32, #tpu.memory_space<vmem>> -> memref<8x1024xf32, #tpu.memory_space<vmem>>
    tpu.enqueue_dma source(%dma_start3A_475 : memref<8x1024xf32, #tpu.memory_space<vmem>>) target(%dma_start3A_473 : memref<8x1024xf32, #tpu.memory_space<hbm>>) target_semaphore(%arg9 : memref<!tpu.dma_semaphore, #tpu.memory_space<semaphore_mem>>)
    %mul3A_476 = arith.constant 128 : i32
    %mul3A_477 = arith.muli %select_n3A_58, %mul3A_476 : i32
    %sub3A_478 = arith.constant 4096 : i32
    %sub3A_479 = arith.subi %sub3A_478, %mul3A_477 : i32
    %jit3A_480 = arith.constant 0 : i32
    %jit3A_481 = arith.constant 1024 : i32
    %max3A_482 = arith.maxsi %jit3A_480, %sub3A_479 : i32
    %min3A_483 = arith.minsi %jit3A_481, %max3A_482 : i32
    %multiple_of3A_484 = tpu.assume_multiple %min3A_483, 128 : i32
    %mul3A_485 = arith.constant 8 : i32
    %mul3A_486 = arith.muli %select_n3A_416, %mul3A_485 : i32
    %dma_start3A_487 = arith.constant 0 : i32
    %dma_start3A_488 = tpu.memref_slice %arg7[%dma_start3A_487, %multiple_of3A_484] : memref<8x2048xf32, #tpu.memory_space<vmem>> -> memref<8x1024xf32, #tpu.memory_space<vmem>>
    %dma_start3A_489 = arith.constant 3072 : i32
    %dma_start3A_490 = tpu.memref_slice %arg4[%select_n3A, %mul3A_486, %dma_start3A_489] : memref<4x64x4096xf32, #tpu.memory_space<hbm>> -> memref<1x8x1024xf32, #tpu.memory_space<hbm>>
    %dma_start3A_491 = tpu.memref_squeeze %dma_start3A_490 : memref<1x8x1024xf32, #tpu.memory_space<hbm>> -> memref<8x1024xf32, #tpu.memory_space<hbm>>
    %dma_start3A_492 = arith.constant 3072 : i32
    %dma_start3A_493 = tpu.memref_slice %arg4[%select_n3A, %mul3A_486, %dma_start3A_492] : memref<4x64x4096xf32, #tpu.memory_space<hbm>> -> memref<1x8x1024xf32, #tpu.memory_space<hbm>>
    %dma_start3A_494 = tpu.memref_squeeze %dma_start3A_493 : memref<1x8x1024xf32, #tpu.memory_space<hbm>> -> memref<8x1024xf32, #tpu.memory_space<hbm>>
    %dma_start3A_495 = arith.constant 0 : i32
    %dma_start3A_496 = tpu.memref_slice %arg7[%dma_start3A_495, %multiple_of3A_484] : memref<8x2048xf32, #tpu.memory_space<vmem>> -> memref<8x1024xf32, #tpu.memory_space<vmem>>
    tpu.enqueue_dma source(%dma_start3A_496 : memref<8x1024xf32, #tpu.memory_space<vmem>>) target(%dma_start3A_494 : memref<8x1024xf32, #tpu.memory_space<hbm>>) target_semaphore(%arg9 : memref<!tpu.dma_semaphore, #tpu.memory_space<semaphore_mem>>)
    %dma_wait3A = arith.constant 0 : i32
    %dma_wait3A_497 = tpu.memref_slice %arg7[%dma_wait3A, %multiple_of3A] : memref<8x2048xf32, #tpu.memory_space<vmem>> -> memref<8x1024xf32, #tpu.memory_space<vmem>>
    %dma_wait3A_498 = arith.constant 0 : i32
    %dma_wait3A_499 = tpu.memref_slice %arg4[%select_n3A, %mul3A_424, %dma_wait3A_498] : memref<4x64x4096xf32, #tpu.memory_space<hbm>> -> memref<1x8x1024xf32, #tpu.memory_space<hbm>>
    %dma_wait3A_500 = tpu.memref_squeeze %dma_wait3A_499 : memref<1x8x1024xf32, #tpu.memory_space<hbm>> -> memref<8x1024xf32, #tpu.memory_space<hbm>>
    %dma_wait3A_501 = arith.constant 0 : i32
    %dma_wait3A_502 = tpu.memref_slice %arg4[%select_n3A, %mul3A_424, %dma_wait3A_501] : memref<4x64x4096xf32, #tpu.memory_space<hbm>> -> memref<1x8x1024xf32, #tpu.memory_space<hbm>>
    %dma_wait3A_503 = tpu.memref_squeeze %dma_wait3A_502 : memref<1x8x1024xf32, #tpu.memory_space<hbm>> -> memref<8x1024xf32, #tpu.memory_space<hbm>>
    %dma_wait3A_504 = arith.constant 0 : i32
    %dma_wait3A_505 = tpu.memref_slice %arg7[%dma_wait3A_504, %multiple_of3A] : memref<8x2048xf32, #tpu.memory_space<vmem>> -> memref<8x1024xf32, #tpu.memory_space<vmem>>
    tpu.wait_dma2 semaphore(%arg9 : memref<!tpu.dma_semaphore, #tpu.memory_space<semaphore_mem>>) src(%dma_wait3A_505 : memref<8x1024xf32, #tpu.memory_space<vmem>>) dst(%dma_wait3A_503 : memref<8x1024xf32, #tpu.memory_space<hbm>>)
    %dma_wait3A_506 = arith.constant 0 : i32
    %dma_wait3A_507 = tpu.memref_slice %arg7[%dma_wait3A_506, %multiple_of3A_442] : memref<8x2048xf32, #tpu.memory_space<vmem>> -> memref<8x1024xf32, #tpu.memory_space<vmem>>
    %dma_wait3A_508 = arith.constant 1024 : i32
    %dma_wait3A_509 = tpu.memref_slice %arg4[%select_n3A, %mul3A_444, %dma_wait3A_508] : memref<4x64x4096xf32, #tpu.memory_space<hbm>> -> memref<1x8x1024xf32, #tpu.memory_space<hbm>>
    %dma_wait3A_510 = tpu.memref_squeeze %dma_wait3A_509 : memref<1x8x1024xf32, #tpu.memory_space<hbm>> -> memref<8x1024xf32, #tpu.memory_space<hbm>>
    %dma_wait3A_511 = arith.constant 1024 : i32
    %dma_wait3A_512 = tpu.memref_slice %arg4[%select_n3A, %mul3A_444, %dma_wait3A_511] : memref<4x64x4096xf32, #tpu.memory_space<hbm>> -> memref<1x8x1024xf32, #tpu.memory_space<hbm>>
    %dma_wait3A_513 = tpu.memref_squeeze %dma_wait3A_512 : memref<1x8x1024xf32, #tpu.memory_space<hbm>> -> memref<8x1024xf32, #tpu.memory_space<hbm>>
    %dma_wait3A_514 = arith.constant 0 : i32
    %dma_wait3A_515 = tpu.memref_slice %arg7[%dma_wait3A_514, %multiple_of3A_442] : memref<8x2048xf32, #tpu.memory_space<vmem>> -> memref<8x1024xf32, #tpu.memory_space<vmem>>
    tpu.wait_dma2 semaphore(%arg9 : memref<!tpu.dma_semaphore, #tpu.memory_space<semaphore_mem>>) src(%dma_wait3A_515 : memref<8x1024xf32, #tpu.memory_space<vmem>>) dst(%dma_wait3A_513 : memref<8x1024xf32, #tpu.memory_space<hbm>>)
    %dma_wait3A_516 = arith.constant 0 : i32
    %dma_wait3A_517 = tpu.memref_slice %arg7[%dma_wait3A_516, %multiple_of3A_463] : memref<8x2048xf32, #tpu.memory_space<vmem>> -> memref<8x1024xf32, #tpu.memory_space<vmem>>
    %dma_wait3A_518 = arith.constant 2048 : i32
    %dma_wait3A_519 = tpu.memref_slice %arg4[%select_n3A, %mul3A_465, %dma_wait3A_518] : memref<4x64x4096xf32, #tpu.memory_space<hbm>> -> memref<1x8x1024xf32, #tpu.memory_space<hbm>>
    %dma_wait3A_520 = tpu.memref_squeeze %dma_wait3A_519 : memref<1x8x1024xf32, #tpu.memory_space<hbm>> -> memref<8x1024xf32, #tpu.memory_space<hbm>>
    %dma_wait3A_521 = arith.constant 2048 : i32
    %dma_wait3A_522 = tpu.memref_slice %arg4[%select_n3A, %mul3A_465, %dma_wait3A_521] : memref<4x64x4096xf32, #tpu.memory_space<hbm>> -> memref<1x8x1024xf32, #tpu.memory_space<hbm>>
    %dma_wait3A_523 = tpu.memref_squeeze %dma_wait3A_522 : memref<1x8x1024xf32, #tpu.memory_space<hbm>> -> memref<8x1024xf32, #tpu.memory_space<hbm>>
    %dma_wait3A_524 = arith.constant 0 : i32
    %dma_wait3A_525 = tpu.memref_slice %arg7[%dma_wait3A_524, %multiple_of3A_463] : memref<8x2048xf32, #tpu.memory_space<vmem>> -> memref<8x1024xf32, #tpu.memory_space<vmem>>
    tpu.wait_dma2 semaphore(%arg9 : memref<!tpu.dma_semaphore, #tpu.memory_space<semaphore_mem>>) src(%dma_wait3A_525 : memref<8x1024xf32, #tpu.memory_space<vmem>>) dst(%dma_wait3A_523 : memref<8x1024xf32, #tpu.memory_space<hbm>>)
    %dma_wait3A_526 = arith.constant 0 : i32
    %dma_wait3A_527 = tpu.memref_slice %arg7[%dma_wait3A_526, %multiple_of3A_484] : memref<8x2048xf32, #tpu.memory_space<vmem>> -> memref<8x1024xf32, #tpu.memory_space<vmem>>
    %dma_wait3A_528 = arith.constant 3072 : i32
    %dma_wait3A_529 = tpu.memref_slice %arg4[%select_n3A, %mul3A_486, %dma_wait3A_528] : memref<4x64x4096xf32, #tpu.memory_space<hbm>> -> memref<1x8x1024xf32, #tpu.memory_space<hbm>>
    %dma_wait3A_530 = tpu.memref_squeeze %dma_wait3A_529 : memref<1x8x1024xf32, #tpu.memory_space<hbm>> -> memref<8x1024xf32, #tpu.memory_space<hbm>>
    %dma_wait3A_531 = arith.constant 3072 : i32
    %dma_wait3A_532 = tpu.memref_slice %arg4[%select_n3A, %mul3A_486, %dma_wait3A_531] : memref<4x64x4096xf32, #tpu.memory_space<hbm>> -> memref<1x8x1024xf32, #tpu.memory_space<hbm>>
    %dma_wait3A_533 = tpu.memref_squeeze %dma_wait3A_532 : memref<1x8x1024xf32, #tpu.memory_space<hbm>> -> memref<8x1024xf32, #tpu.memory_space<hbm>>
    %dma_wait3A_534 = arith.constant 0 : i32
    %dma_wait3A_535 = tpu.memref_slice %arg7[%dma_wait3A_534, %multiple_of3A_484] : memref<8x2048xf32, #tpu.memory_space<vmem>> -> memref<8x1024xf32, #tpu.memory_space<vmem>>
    tpu.wait_dma2 semaphore(%arg9 : memref<!tpu.dma_semaphore, #tpu.memory_space<semaphore_mem>>) src(%dma_wait3A_535 : memref<8x1024xf32, #tpu.memory_space<vmem>>) dst(%dma_wait3A_533 : memref<8x1024xf32, #tpu.memory_space<hbm>>)
    %lt3A_536 = arith.constant 32 : i32
    %lt3A_537 = arith.cmpi slt, %select_n3A_58, %lt3A_536 : i32
    %convert_element_type3A = arith.extui %lt3A_537 : i1 to i32
    %cond3A = arith.constant 0 : i32
    %cond3A_538 = arith.cmpi ne, %convert_element_type3A, %cond3A : i32
    scf.if %cond3A_538 {
      %mul3A_539 = arith.constant 1 : i32
      %mul3A_540 = arith.muli %add3A, %mul3A_539 : i32
      %add3A_541 = arith.constant 0 : i32
      %add3A_542 = arith.addi %mul3A_540, %add3A_541 : i32
      %jit3A_543 = arith.constant 8 : i32
      %eq3A_544 = arith.constant 0 : i32
      %eq3A_545 = arith.cmpi eq, %jit3A_543, %eq3A_544 : i32
      %jit3A_546 = arith.constant 1 : i32
      %select_n3A_547 = arith.select %eq3A_545, %jit3A_546, %jit3A_543 : i32
      %rem3A_548 = arith.remsi %add3A_542, %select_n3A_547 : i32
      %ne3A_549 = arith.constant 0 : i32
      %ne3A_550 = arith.cmpi ne, %rem3A_548, %ne3A_549 : i32
      %lt3A_551 = arith.constant 0 : i32
      %lt3A_552 = arith.cmpi slt, %rem3A_548, %lt3A_551 : i32
      %lt3A_553 = arith.constant 0 : i32
      %lt3A_554 = arith.cmpi slt, %select_n3A_547, %lt3A_553 : i32
      %ne3A_555 = arith.xori %lt3A_552, %lt3A_554 : i1
      %and3A_556 = arith.andi %ne3A_555, %ne3A_550 : i1
      %add3A_557 = arith.addi %rem3A_548, %select_n3A_547 : i32
      %select_n3A_558 = arith.select %and3A_556, %add3A_557, %rem3A_548 : i32
      %mul3A_559 = arith.constant 8 : i32
      %mul3A_560 = arith.muli %select_n3A_558, %mul3A_559 : i32
      %mul3A_561 = arith.constant 128 : i32
      %mul3A_562 = arith.muli %select_n3A_58, %mul3A_561 : i32
      %multiple_of3A_563 = tpu.assume_multiple %mul3A_562, 128 : i32
      %dma_start3A_564 = arith.constant 0 : i32
      %dma_start3A_565 = arith.constant 0 : i32
      %dma_start3A_566 = tpu.memref_slice %arg8[%dma_start3A_564, %dma_start3A_565] : memref<8x128xf32, #tpu.memory_space<vmem>> -> memref<8x128xf32, #tpu.memory_space<vmem>>
      %dma_start3A_567 = tpu.memref_slice %arg4[%select_n3A, %mul3A_560, %multiple_of3A_563] : memref<4x64x4096xf32, #tpu.memory_space<hbm>> -> memref<1x8x128xf32, #tpu.memory_space<hbm>>
      %dma_start3A_568 = tpu.memref_squeeze %dma_start3A_567 : memref<1x8x128xf32, #tpu.memory_space<hbm>> -> memref<8x128xf32, #tpu.memory_space<hbm>>
      %dma_start3A_569 = tpu.memref_slice %arg4[%select_n3A, %mul3A_560, %multiple_of3A_563] : memref<4x64x4096xf32, #tpu.memory_space<hbm>> -> memref<1x8x128xf32, #tpu.memory_space<hbm>>
      %dma_start3A_570 = tpu.memref_squeeze %dma_start3A_569 : memref<1x8x128xf32, #tpu.memory_space<hbm>> -> memref<8x128xf32, #tpu.memory_space<hbm>>
      %dma_start3A_571 = arith.constant 0 : i32
      %dma_start3A_572 = arith.constant 0 : i32
      %dma_start3A_573 = tpu.memref_slice %arg8[%dma_start3A_571, %dma_start3A_572] : memref<8x128xf32, #tpu.memory_space<vmem>> -> memref<8x128xf32, #tpu.memory_space<vmem>>
      tpu.enqueue_dma source(%dma_start3A_573 : memref<8x128xf32, #tpu.memory_space<vmem>>) target(%dma_start3A_570 : memref<8x128xf32, #tpu.memory_space<hbm>>) target_semaphore(%arg9 : memref<!tpu.dma_semaphore, #tpu.memory_space<semaphore_mem>>)
      %dma_wait3A_574 = arith.constant 0 : i32
      %dma_wait3A_575 = arith.constant 0 : i32
      %dma_wait3A_576 = tpu.memref_slice %arg8[%dma_wait3A_574, %dma_wait3A_575] : memref<8x128xf32, #tpu.memory_space<vmem>> -> memref<8x128xf32, #tpu.memory_space<vmem>>
      %dma_wait3A_577 = tpu.memref_slice %arg4[%select_n3A, %mul3A_560, %multiple_of3A_563] : memref<4x64x4096xf32, #tpu.memory_space<hbm>> -> memref<1x8x128xf32, #tpu.memory_space<hbm>>
      %dma_wait3A_578 = tpu.memref_squeeze %dma_wait3A_577 : memref<1x8x128xf32, #tpu.memory_space<hbm>> -> memref<8x128xf32, #tpu.memory_space<hbm>>
      %dma_wait3A_579 = tpu.memref_slice %arg4[%select_n3A, %mul3A_560, %multiple_of3A_563] : memref<4x64x4096xf32, #tpu.memory_space<hbm>> -> memref<1x8x128xf32, #tpu.memory_space<hbm>>
      %dma_wait3A_580 = tpu.memref_squeeze %dma_wait3A_579 : memref<1x8x128xf32, #tpu.memory_space<hbm>> -> memref<8x128xf32, #tpu.memory_space<hbm>>
      %dma_wait3A_581 = arith.constant 0 : i32
      %dma_wait3A_582 = arith.constant 0 : i32
      %dma_wait3A_583 = tpu.memref_slice %arg8[%dma_wait3A_581, %dma_wait3A_582] : memref<8x128xf32, #tpu.memory_space<vmem>> -> memref<8x128xf32, #tpu.memory_space<vmem>>
      tpu.wait_dma2 semaphore(%arg9 : memref<!tpu.dma_semaphore, #tpu.memory_space<semaphore_mem>>) src(%dma_wait3A_583 : memref<8x128xf32, #tpu.memory_space<vmem>>) dst(%dma_wait3A_580 : memref<8x128xf32, #tpu.memory_space<hbm>>)
    } else {
    }
    return
  }
}

module attributes {stable_mosaic.version = 14 : i64} {
  func.func @body(%arg0: i32, %arg1: memref<12xf32, #tpu.memory_space<smem>>, %arg2: memref<12xi32, #tpu.memory_space<smem>>, %arg3: memref<12x64x4096xf32, #tpu.memory_space<any>>, %arg4: memref<4x64x4096xf32, #tpu.memory_space<vmem>>, %arg5: memref<4x!tpu.dma_semaphore, #tpu.memory_space<semaphore_mem>>) attributes {dimension_semantics = [#tpu.dimension_semantics<arbitrary>], iteration_bounds = array<i64: 12>, scalar_prefetch = 0 : i64, scratch_operands = 2 : i64, tpu.core_type = #tpu.core_type<tc>, window_params = [{transform_indices = @transform_0, window_bounds = array<i64: 12>}, {transform_indices = @transform_1, window_bounds = array<i64: 12>}, {}]} {
    %rem3A = arith.constant 4 : i32
    %rem3A_0 = arith.remsi %arg0, %rem3A : i32
    %get3A = arith.index_cast %arg0 : i32 to index
    %get3A_1 = memref.load %arg1[%get3A] : memref<12xf32, #tpu.memory_space<smem>>
    %get3A_2 = arith.index_cast %arg0 : i32 to index
    %get3A_3 = memref.load %arg2[%get3A_2] : memref<12xi32, #tpu.memory_space<smem>>
    %ge3A = arith.constant 4 : i32
    %ge3A_4 = arith.cmpi sge, %arg0, %ge3A : i32
    %convert_element_type3A = arith.extui %ge3A_4 : i1 to i32
    %cond3A = arith.constant 0 : i32
    %cond3A_5 = arith.cmpi ne, %convert_element_type3A, %cond3A : i32
    scf.if %cond3A_5 {
      %sub3A = arith.constant 4 : i32
      %sub3A_26 = arith.subi %arg0, %sub3A : i32
      %dma_wait3A = tpu.memref_slice %arg5[%rem3A_0] : memref<4x!tpu.dma_semaphore, #tpu.memory_space<semaphore_mem>> -> memref<1x!tpu.dma_semaphore, #tpu.memory_space<semaphore_mem>>
      %dma_wait3A_27 = tpu.memref_squeeze %dma_wait3A : memref<1x!tpu.dma_semaphore, #tpu.memory_space<semaphore_mem>> -> memref<!tpu.dma_semaphore, #tpu.memory_space<semaphore_mem>>
      %dma_wait3A_28 = arith.constant 0 : i32
      %dma_wait3A_29 = arith.constant 0 : i32
      %dma_wait3A_30 = tpu.memref_slice %arg3[%sub3A_26, %dma_wait3A_28, %dma_wait3A_29] : memref<12x64x4096xf32, #tpu.memory_space<any>> -> memref<1x64x4096xf32, #tpu.memory_space<any>>
      %dma_wait3A_31 = tpu.memref_squeeze %dma_wait3A_30 : memref<1x64x4096xf32, #tpu.memory_space<any>> -> memref<64x4096xf32, #tpu.memory_space<any>>
      %dma_wait3A_32 = arith.constant 0 : i32
      %dma_wait3A_33 = arith.constant 0 : i32
      %dma_wait3A_34 = tpu.memref_slice %arg4[%rem3A_0, %dma_wait3A_32, %dma_wait3A_33] : memref<4x64x4096xf32, #tpu.memory_space<vmem>> -> memref<1x64x4096xf32, #tpu.memory_space<vmem>>
      %dma_wait3A_35 = tpu.memref_squeeze %dma_wait3A_34 : memref<1x64x4096xf32, #tpu.memory_space<vmem>> -> memref<64x4096xf32, #tpu.memory_space<vmem>>
      tpu.wait_dma2 semaphore(%dma_wait3A_27 : memref<!tpu.dma_semaphore, #tpu.memory_space<semaphore_mem>>) src(%dma_wait3A_35 : memref<64x4096xf32, #tpu.memory_space<vmem>>) dst(%dma_wait3A_31 : memref<64x4096xf32, #tpu.memory_space<any>>)
    } else {
    }
    %iota3A = tpu.iota {dimensions = array<i32: 1>} : vector<64x4096xi32>
    %lt3A = vector.broadcast %get3A_3 : i32 to vector<64x4096xi32>
    %lt3A_6 = arith.cmpi slt, %iota3A, %lt3A : vector<64x4096xi32>
    %jit3A = arith.constant 0.000000e+00 : f32
    %broadcast_in_dim3A = vector.broadcast %get3A_1 : f32 to vector<64x4096xf32>
    %broadcast_in_dim3A_7 = vector.broadcast %jit3A : f32 to vector<64x4096xf32>
    %select_n3A = arith.select %lt3A_6, %broadcast_in_dim3A, %broadcast_in_dim3A_7 : vector<64x4096xi1>, vector<64x4096xf32>
    %swap3A = arith.index_cast %rem3A_0 : i32 to index
    %swap3A_8 = arith.constant 0 : index
    %swap3A_9 = arith.constant 0 : index
    %swap3A_10 = vector.load %arg4[%swap3A, %swap3A_8, %swap3A_9] : memref<4x64x4096xf32, #tpu.memory_space<vmem>>, vector<1x64x4096xf32>
    %swap3A_11 = vector.shape_cast %swap3A_10 : vector<1x64x4096xf32> to vector<64x4096xf32>
    %swap3A_12 = vector.shape_cast %select_n3A : vector<64x4096xf32> to vector<1x64x4096xf32>
    tpu.vector_store %arg4[%swap3A, %swap3A_8, %swap3A_9], %swap3A_12 {strides = array<i32>} : memref<4x64x4096xf32, #tpu.memory_space<vmem>>, vector<1x64x4096xf32>,
    %dma_start3A = tpu.memref_slice %arg5[%rem3A_0] : memref<4x!tpu.dma_semaphore, #tpu.memory_space<semaphore_mem>> -> memref<1x!tpu.dma_semaphore, #tpu.memory_space<semaphore_mem>>
    %dma_start3A_13 = tpu.memref_squeeze %dma_start3A : memref<1x!tpu.dma_semaphore, #tpu.memory_space<semaphore_mem>> -> memref<!tpu.dma_semaphore, #tpu.memory_space<semaphore_mem>>
    %dma_start3A_14 = arith.constant 0 : i32
    %dma_start3A_15 = arith.constant 0 : i32
    %dma_start3A_16 = tpu.memref_slice %arg3[%arg0, %dma_start3A_14, %dma_start3A_15] : memref<12x64x4096xf32, #tpu.memory_space<any>> -> memref<1x64x4096xf32, #tpu.memory_space<any>>
    %dma_start3A_17 = tpu.memref_squeeze %dma_start3A_16 : memref<1x64x4096xf32, #tpu.memory_space<any>> -> memref<64x4096xf32, #tpu.memory_space<any>>
    %dma_start3A_18 = arith.constant 0 : i32
    %dma_start3A_19 = arith.constant 0 : i32
    %dma_start3A_20 = tpu.memref_slice %arg4[%rem3A_0, %dma_start3A_18, %dma_start3A_19] : memref<4x64x4096xf32, #tpu.memory_space<vmem>> -> memref<1x64x4096xf32, #tpu.memory_space<vmem>>
    %dma_start3A_21 = tpu.memref_squeeze %dma_start3A_20 : memref<1x64x4096xf32, #tpu.memory_space<vmem>> -> memref<64x4096xf32, #tpu.memory_space<vmem>>
    tpu.enqueue_dma source(%dma_start3A_21 : memref<64x4096xf32, #tpu.memory_space<vmem>>) target(%dma_start3A_17 : memref<64x4096xf32, #tpu.memory_space<any>>) target_semaphore(%dma_start3A_13 : memref<!tpu.dma_semaphore, #tpu.memory_space<semaphore_mem>>)
    %eq3A = arith.constant 11 : i32
    %eq3A_22 = arith.cmpi eq, %arg0, %eq3A : i32
    %convert_element_type3A_23 = arith.extui %eq3A_22 : i1 to i32
    %cond3A_24 = arith.constant 0 : i32
    %cond3A_25 = arith.cmpi ne, %convert_element_type3A_23, %cond3A_24 : i32
    scf.if %cond3A_25 {
      %dma_wait3A = arith.constant 0 : i32
      %dma_wait3A_26 = arith.constant 8 : i32
      %dma_wait3A_27 = arith.constant 0 : i32
      %dma_wait3A_28 = tpu.memref_slice %arg5[%dma_wait3A_27] : memref<4x!tpu.dma_semaphore, #tpu.memory_space<semaphore_mem>> -> memref<1x!tpu.dma_semaphore, #tpu.memory_space<semaphore_mem>>
      %dma_wait3A_29 = tpu.memref_squeeze %dma_wait3A_28 : memref<1x!tpu.dma_semaphore, #tpu.memory_space<semaphore_mem>> -> memref<!tpu.dma_semaphore, #tpu.memory_space<semaphore_mem>>
      %dma_wait3A_30 = arith.constant 0 : i32
      %dma_wait3A_31 = arith.constant 0 : i32
      %dma_wait3A_32 = tpu.memref_slice %arg3[%dma_wait3A_26, %dma_wait3A_30, %dma_wait3A_31] : memref<12x64x4096xf32, #tpu.memory_space<any>> -> memref<1x64x4096xf32, #tpu.memory_space<any>>
      %dma_wait3A_33 = tpu.memref_squeeze %dma_wait3A_32 : memref<1x64x4096xf32, #tpu.memory_space<any>> -> memref<64x4096xf32, #tpu.memory_space<any>>
      %dma_wait3A_34 = arith.constant 0 : i32
      %dma_wait3A_35 = arith.constant 0 : i32
      %dma_wait3A_36 = tpu.memref_slice %arg4[%dma_wait3A, %dma_wait3A_34, %dma_wait3A_35] : memref<4x64x4096xf32, #tpu.memory_space<vmem>> -> memref<1x64x4096xf32, #tpu.memory_space<vmem>>
      %dma_wait3A_37 = tpu.memref_squeeze %dma_wait3A_36 : memref<1x64x4096xf32, #tpu.memory_space<vmem>> -> memref<64x4096xf32, #tpu.memory_space<vmem>>
      tpu.wait_dma2 semaphore(%dma_wait3A_29 : memref<!tpu.dma_semaphore, #tpu.memory_space<semaphore_mem>>) src(%dma_wait3A_37 : memref<64x4096xf32, #tpu.memory_space<vmem>>) dst(%dma_wait3A_33 : memref<64x4096xf32, #tpu.memory_space<any>>)
      %dma_wait3A_38 = arith.constant 1 : i32
      %dma_wait3A_39 = arith.constant 9 : i32
      %dma_wait3A_40 = arith.constant 1 : i32
      %dma_wait3A_41 = tpu.memref_slice %arg5[%dma_wait3A_40] : memref<4x!tpu.dma_semaphore, #tpu.memory_space<semaphore_mem>> -> memref<1x!tpu.dma_semaphore, #tpu.memory_space<semaphore_mem>>
      %dma_wait3A_42 = tpu.memref_squeeze %dma_wait3A_41 : memref<1x!tpu.dma_semaphore, #tpu.memory_space<semaphore_mem>> -> memref<!tpu.dma_semaphore, #tpu.memory_space<semaphore_mem>>
      %dma_wait3A_43 = arith.constant 0 : i32
      %dma_wait3A_44 = arith.constant 0 : i32
      %dma_wait3A_45 = tpu.memref_slice %arg3[%dma_wait3A_39, %dma_wait3A_43, %dma_wait3A_44] : memref<12x64x4096xf32, #tpu.memory_space<any>> -> memref<1x64x4096xf32, #tpu.memory_space<any>>
      %dma_wait3A_46 = tpu.memref_squeeze %dma_wait3A_45 : memref<1x64x4096xf32, #tpu.memory_space<any>> -> memref<64x4096xf32, #tpu.memory_space<any>>
      %dma_wait3A_47 = arith.constant 0 : i32
      %dma_wait3A_48 = arith.constant 0 : i32
      %dma_wait3A_49 = tpu.memref_slice %arg4[%dma_wait3A_38, %dma_wait3A_47, %dma_wait3A_48] : memref<4x64x4096xf32, #tpu.memory_space<vmem>> -> memref<1x64x4096xf32, #tpu.memory_space<vmem>>
      %dma_wait3A_50 = tpu.memref_squeeze %dma_wait3A_49 : memref<1x64x4096xf32, #tpu.memory_space<vmem>> -> memref<64x4096xf32, #tpu.memory_space<vmem>>
      tpu.wait_dma2 semaphore(%dma_wait3A_42 : memref<!tpu.dma_semaphore, #tpu.memory_space<semaphore_mem>>) src(%dma_wait3A_50 : memref<64x4096xf32, #tpu.memory_space<vmem>>) dst(%dma_wait3A_46 : memref<64x4096xf32, #tpu.memory_space<any>>)
      %dma_wait3A_51 = arith.constant 2 : i32
      %dma_wait3A_52 = arith.constant 10 : i32
      %dma_wait3A_53 = arith.constant 2 : i32
      %dma_wait3A_54 = tpu.memref_slice %arg5[%dma_wait3A_53] : memref<4x!tpu.dma_semaphore, #tpu.memory_space<semaphore_mem>> -> memref<1x!tpu.dma_semaphore, #tpu.memory_space<semaphore_mem>>
      %dma_wait3A_55 = tpu.memref_squeeze %dma_wait3A_54 : memref<1x!tpu.dma_semaphore, #tpu.memory_space<semaphore_mem>> -> memref<!tpu.dma_semaphore, #tpu.memory_space<semaphore_mem>>
      %dma_wait3A_56 = arith.constant 0 : i32
      %dma_wait3A_57 = arith.constant 0 : i32
      %dma_wait3A_58 = tpu.memref_slice %arg3[%dma_wait3A_52, %dma_wait3A_56, %dma_wait3A_57] : memref<12x64x4096xf32, #tpu.memory_space<any>> -> memref<1x64x4096xf32, #tpu.memory_space<any>>
      %dma_wait3A_59 = tpu.memref_squeeze %dma_wait3A_58 : memref<1x64x4096xf32, #tpu.memory_space<any>> -> memref<64x4096xf32, #tpu.memory_space<any>>
      %dma_wait3A_60 = arith.constant 0 : i32
      %dma_wait3A_61 = arith.constant 0 : i32
      %dma_wait3A_62 = tpu.memref_slice %arg4[%dma_wait3A_51, %dma_wait3A_60, %dma_wait3A_61] : memref<4x64x4096xf32, #tpu.memory_space<vmem>> -> memref<1x64x4096xf32, #tpu.memory_space<vmem>>
      %dma_wait3A_63 = tpu.memref_squeeze %dma_wait3A_62 : memref<1x64x4096xf32, #tpu.memory_space<vmem>> -> memref<64x4096xf32, #tpu.memory_space<vmem>>
      tpu.wait_dma2 semaphore(%dma_wait3A_55 : memref<!tpu.dma_semaphore, #tpu.memory_space<semaphore_mem>>) src(%dma_wait3A_63 : memref<64x4096xf32, #tpu.memory_space<vmem>>) dst(%dma_wait3A_59 : memref<64x4096xf32, #tpu.memory_space<any>>)
      %dma_wait3A_64 = arith.constant 3 : i32
      %dma_wait3A_65 = arith.constant 11 : i32
      %dma_wait3A_66 = arith.constant 3 : i32
      %dma_wait3A_67 = tpu.memref_slice %arg5[%dma_wait3A_66] : memref<4x!tpu.dma_semaphore, #tpu.memory_space<semaphore_mem>> -> memref<1x!tpu.dma_semaphore, #tpu.memory_space<semaphore_mem>>
      %dma_wait3A_68 = tpu.memref_squeeze %dma_wait3A_67 : memref<1x!tpu.dma_semaphore, #tpu.memory_space<semaphore_mem>> -> memref<!tpu.dma_semaphore, #tpu.memory_space<semaphore_mem>>
      %dma_wait3A_69 = arith.constant 0 : i32
      %dma_wait3A_70 = arith.constant 0 : i32
      %dma_wait3A_71 = tpu.memref_slice %arg3[%dma_wait3A_65, %dma_wait3A_69, %dma_wait3A_70] : memref<12x64x4096xf32, #tpu.memory_space<any>> -> memref<1x64x4096xf32, #tpu.memory_space<any>>
      %dma_wait3A_72 = tpu.memref_squeeze %dma_wait3A_71 : memref<1x64x4096xf32, #tpu.memory_space<any>> -> memref<64x4096xf32, #tpu.memory_space<any>>
      %dma_wait3A_73 = arith.constant 0 : i32
      %dma_wait3A_74 = arith.constant 0 : i32
      %dma_wait3A_75 = tpu.memref_slice %arg4[%dma_wait3A_64, %dma_wait3A_73, %dma_wait3A_74] : memref<4x64x4096xf32, #tpu.memory_space<vmem>> -> memref<1x64x4096xf32, #tpu.memory_space<vmem>>
      %dma_wait3A_76 = tpu.memref_squeeze %dma_wait3A_75 : memref<1x64x4096xf32, #tpu.memory_space<vmem>> -> memref<64x4096xf32, #tpu.memory_space<vmem>>
      tpu.wait_dma2 semaphore(%dma_wait3A_68 : memref<!tpu.dma_semaphore, #tpu.memory_space<semaphore_mem>>) src(%dma_wait3A_76 : memref<64x4096xf32, #tpu.memory_space<vmem>>) dst(%dma_wait3A_72 : memref<64x4096xf32, #tpu.memory_space<any>>)
    } else {
    }
    return
  }
  func.func @transform_0(%arg0: i32) -> i32 {
    %c0_i32 = arith.constant 0 : i32
    %c0_i32_0 = arith.constant 0 : i32
    return %c0_i32 : i32
  }
  func.func @transform_1(%arg0: i32) -> i32 {
    %c0_i32 = arith.constant 0 : i32
    %c0_i32_0 = arith.constant 0 : i32
    return %c0_i32 : i32
  }
}

</mosaic_0001>

<sc_bundles>
// kernel: kernel.4.cloned.1.call-start
scs
__scs_entry_jumppad:
0x0: {  	(pc) =	sbr.rel $0x88, $3  }
0x1: {  	(tag) =	ssettag $0x0;
	lr =	simm.s32 $0x1  }
0x2: {  	[smem:$0x3F9F] =	sst lr;
	_ =	strace $0xD0000000  }
0x3: {  	_ = 	snop  }
0x4: {  	_ = 	snop  }
0x5: {  	_ = 	snop  }
0x6: {  	_ = 	snop  }
0x7: {  	_ = 	snop  }
__scs_overlays_trampoline_lowered:
0x8: {  	[smem:$0x3FAE] =	sst s0  }
0x9: {  	[smem:$0x3FAF] =	sst s1  }
0xa: {  	[smem:$0x3FB0] =	sst s2  }
0xb: {  	[smem:$0x3FB1] =	sst s3  }
0xc: {  	[smem:$0x3FB2] =	sst s4  }
0xd: {  	[smem:$0x3FB3] =	sst s5  }
0xe: {  	[smem:$0x3FB4] =	sst s6  }
0xf: {  	[smem:$0x3FB5] =	sst s7  }
0x10: {  	[smem:$0x3FB6] =	sst s8  }
0x11: {  	[smem:$0x3FB7] =	sst s9;
	s0 =	simm.s32 @!p0 $0x0  }
0x12: {  	s1 =	sld [smem:$0x3F9D];
	s0 =	simm.s32 @p0 $0x1  }
0x13: {  	[smem:$0x3FB8] =	sst s0;
	s0 =	simm.s32 @!p1 $0x0  }
0x14: {  	s2 =	sld [smem:$0x3F9C];
	s0 =	simm.s32 @p1 $0x1  }
0x15: {  	[smem:$0x3FB9] =	sst s0;
	s0 =	simm.s32 @!p2 $0x0  }
0x16: {  	s3 =	sld [smem:$0x3FDB];
	s0 =	simm.s32 @p2 $0x1  }
0x17: {  	s4 =	simm.s32 $0x1BF5;
	[smem:$0x3FBB] =	sst s0  }
0x18: {  	s0 =	sld [smem:$0x3F9E];
	_ =	swait.ge [sflag:s4], $0x0  }
0x19: {  	s7 =	sld [smem:$0x3F9F]  }
0x1a: {  	s8 =	sadd.s32 $0xFFFFE003, lr  }
0x1b: {  	s9 =	sadd.s32 $0xFFFFFEF7, lr;
	s5 =	simm.s32 $0xFFFFFFFF;
	p2 =	slt.u32 s8, $0xFFFFF086  }
0x1c: {  	p1 =	slt.u32 s9, $0xF7A;
	s5 =	simm.s32 @!p2 $0x0  }
0x1d: {  	s5 =	simm.s32 @p1 $0x1;
	p0 =	seq.s32 s7, s2  }
0x1e: {  	s7 =	smul.u32 @!p0 $0xF7A, s2;
	p2 =	seq.s32 @!p0 s5, $0x0  }
0x1f: {  	s9 =	smul.u32 $0xF7A, s1;
	s8 =	simm.s32 @!p0 $0x1BF5;
	p2 =	por !p2, p0  }
0x20: {  	[sflag:s8] =	ssyncset.s32 @!p0 $0xFFFFF086;
	s6 =	sadd.s32 @!p0 s3, s7;
	s7 =	simm.s32 @!p0 $0x108  }
0x21: {  	s3 =	sadd.s32 s3, s9;
	s6 =	sadd.s32 @!p0 $0x88, s6;
	s7 =	simm.s32 @p2 $0x1082  }
0x22: {  	[simem:s7], [sflag:s8] =	dma.local @!p0 [hbm:s6], $0xF7A  }
0x23: {  	s9 =	sor.u32 $0xD0000000, s2;
	s6 =	simm.s32 $0x108;
	_ =	swait.ge @!p0 [sflag:s8], $0x0  }
0x24: {  	s3 =	sadd.s32 $0x88, s3;
	s6 =	simm.s32 @!p1 $0x1082;
	[sflag:s4] =	ssyncset.s32 $0xFFFFF086  }
0x25: {  	[simem:s6], [sflag:s4] =	dma.local [hbm:s3], $0xF7A  }
0x26: {  	[smem:$0x3F9F] =	sst s1;
	(tag) =	ssettag s2;
	_ =	strace s9  }
0x27: {  	s1 =	sld [smem:$0x3FAF]  }
0x28: {  	s2 =	sld [smem:$0x3FB0]  }
0x29: {  	s4 =	sld [smem:$0x3FB2]  }
0x2a: {  	p0 =	seq.s32 s5, $0x0;
	s5 =	sld [smem:$0x3FB3]  }
0x2b: {  	s6 =	sld [smem:$0x3FB4]  }
0x2c: {  	s7 =	sld [smem:$0x3FB5]  }
0x2d: {  	s3 =	simm.s32 $0x108;
	s8 =	sld [smem:$0x3FB6]  }
0x2e: {  	s3 =	simm.s32 @!p0 $0x1082;
	s9 =	sld [smem:$0x3FB7]  }
0x2f: {  	lr =	sadd.s32 s0, s3;
	s0 =	sld [smem:$0x3FAE]  }
0x30: {  	s3 =	sld [smem:$0x3FB1]  }
0x31: {  	[smem:$0x3FBA] =	sst s10  }
0x32: {  	s10 =	sld [smem:$0x3FB8];
	_ =	sdelay $0x3  }
0x33: {  	p0 =	seq.s32 s10, $0x1;
	s10 =	sld [smem:$0x3FBA];
	_ =	sdelay $0x3  }
0x34: {  	[smem:$0x3FBA] =	sst s10  }
0x35: {  	s10 =	sld [smem:$0x3FB9];
	_ =	sdelay $0x3  }
0x36: {  	p1 =	seq.s32 s10, $0x1;
	s10 =	sld [smem:$0x3FBA];
	_ =	sdelay $0x3  }
0x37: {  	[smem:$0x3FBA] =	sst s10  }
0x38: {  	s10 =	sld [smem:$0x3FBB]  }
0x39: {  	_ = 	snop;
	(pc) =	sbr.ind lr, $3  }
0x3a: {  	_ = 	snop  }
0x3b: {  	_ = 	snop  }
0x3c: {  	p2 =	seq.s32 s10, $0x1;
	s10 =	sld [smem:$0x3FBA]  }
0x3d: {  	_ =	shalt  }
0x3e: {  	_ =	shalt  }
0x3f: {  	_ =	shalt  }
0x40: {  	_ =	shalt  }
0x41: {  	_ =	shalt  }
0x42: {  	_ =	shalt  }
0x43: {  	_ =	shalt  }
0x44: {  	_ =	shalt  }
0x45: {  	_ =	shalt  }
0x46: {  	_ =	shalt  }
0x47: {  	_ =	shalt  }
0x48: {  	_ =	shalt  }
0x49: {  	_ =	shalt  }
0x4a: {  	_ =	shalt  }
0x4b: {  	_ =	shalt  }
0x4c: {  	_ =	shalt  }
0x4d: {  	_ =	shalt  }
0x4e: {  	_ =	shalt  }
0x4f: {  	_ =	shalt  }
0x50: {  	_ =	shalt  }
0x51: {  	_ =	shalt  }
0x52: {  	_ =	shalt  }
0x53: {  	_ =	shalt  }
0x54: {  	_ =	shalt  }
0x55: {  	_ =	shalt  }
0x56: {  	_ =	shalt  }
0x57: {  	_ =	shalt  }
0x58: {  	_ =	shalt  }
0x59: {  	_ =	shalt  }
0x5a: {  	_ =	shalt  }
0x5b: {  	_ =	shalt  }
0x5c: {  	_ =	shalt  }
0x5d: {  	_ =	shalt  }
0x5e: {  	_ =	shalt  }
0x5f: {  	_ =	shalt  }
0x60: {  	_ =	shalt  }
0x61: {  	_ =	shalt  }
0x62: {  	_ =	shalt  }
0x63: {  	_ =	shalt  }
0x64: {  	_ =	shalt  }
0x65: {  	_ =	shalt  }
0x66: {  	_ =	shalt  }
0x67: {  	_ =	shalt  }
0x68: {  	_ =	shalt  }
0x69: {  	_ =	shalt  }
0x6a: {  	_ =	shalt  }
0x6b: {  	_ =	shalt  }
0x6c: {  	_ =	shalt  }
0x6d: {  	_ =	shalt  }
0x6e: {  	_ =	shalt  }
0x6f: {  	_ =	shalt  }
0x70: {  	_ =	shalt  }
0x71: {  	_ =	shalt  }
0x72: {  	_ =	shalt  }
0x73: {  	_ =	shalt  }
0x74: {  	_ =	shalt  }
0x75: {  	_ =	shalt  }
0x76: {  	_ =	shalt  }
0x77: {  	_ =	shalt  }
0x78: {  	_ =	shalt  }
0x79: {  	_ =	shalt  }
0x7a: {  	_ =	shalt  }
0x7b: {  	_ =	shalt  }
0x7c: {  	_ =	shalt  }
0x7d: {  	_ =	shalt  }
0x7e: {  	_ =	shalt  }
0x7f: {  	_ =	shalt  }
0x80: {  	_ =	shalt  }
0x81: {  	_ =	shalt  }
0x82: {  	_ =	shalt  }
0x83: {  	_ =	shalt  }
0x84: {  	_ =	shalt  }
0x85: {  	_ =	shalt  }
0x86: {  	_ =	shalt  }
0x87: {  	_ =	shalt  }
.Lfunc_end0:
.L_simem_size_0:
called_computation_lowered:
.L_overlay_start_0:
0x88: {  	s2 =	sld [smem:$0x3FD9]  }
0x89: {  	s3 =	sld [smem:$0x3FFE];
	_ =	sdelay $0x1  }
0x8a: {  	s1 =	srdreg.scid  }
0x8b: {  	s0 =	sand.u32 $0x1, s1  }
0x8c: {  	s17 =	sshll.u32 s0, $0xA;
	s2 =	sadd.s32 s3, s2  }
0x8d: {  	s2 =	sadd.s32 s2, s17  }
0x8e: {  	[smem:$0x3FC6] =	sst s2  }
0x8f: {  	_ = 	snop  }
0x90: {  	s2 =	sld [smem:$0x3FC9]  }
0x91: {  	s18 =	sld [smem:$0x3FC8];
	(tm) =	ssettm $0x1  }
0x92: {  	s4 =	sld [smem:$0x3FFB];
	_ =	sdelay $0x3  }
0x93: {  	_ =	strace s4  }
0x94: {  	s4 =	sld [smem:$0x3FFC];
	_ =	sdelay $0x3  }
0x95: {  	_ =	strace s4  }
0x96: {  	s4 =	sld [smem:$0x3FFD];
	_ =	sdelay $0x3  }
0x97: {  	_ =	strace s4  }
0x98: {  	_ =	strace $0x8FFFFFFF  }
0x99: {  	s19 =	sld [smem:$0x3FDB];
	_ =	sdelay $0x1  }
0x9a: {  	s5 =	simm.s32 $_scs_section_size  }
0x9b: {  	s6 =	simm.s32 $_size__tile_overlayer_lowered;
	s7 =	simm.s32 $_tile_overlayer_lowered  }
0x9c: {  	s22 =	simm.s32 $0x1BFF;
	s21 =	sshll.u32 s7, $0x1;
	s4 =	sadd.s32 s5, s19  }
0x9d: {  	s8 =	simm.s32 $0x0;
	s20 =	sshll.u32 s6, $0x1;
	s6 =	sadd.s32 s21, s4  }
0x9e: {  	[timem:s8], [sflag:s22] =	dma.local [hbm:s6], s20  }
0x9f: {  	_ =	swait.ge [sflag:s22], s20  }
0xa0: {  	s5 =	ssub.s32 $0x0, s20;
	[sflag:s22] =	ssyncset.done $0x0  }
0xa1: {  	[sflag:s22] =	ssyncadd.s32 s5;
	_ =	sdelay $0x1  }
0xa2: {  	s23 =	simm.s32 $0x1B8B  }
0xa3: {  	_ =	swait.ge [sflag:s23], $0x1  }
0xa4: {  	[sflag:s23] =	ssyncset.done $0x0  }
0xa5: {  	s25 =	simm.s32 $0x1B8E;
	s24 =	sld [smem:$0x3FFE];
	[sflag:s23] =	ssyncadd.s32 $0xFFFFFFFF  }
0xa6: {  	s26 =	simm.s32 $execute0_lowered;
	[smem:$0x3FD2] =	sst s25  }
0xa7: {  	s6 =	sshll.u32 s26, $0x1;
	_ =	strace $0x80000046;
	[dreg:$0x1] =	wrdreg $0xFFFFFFFF  }
0xa8: {  	s28 =	simm.s32 $_size_execute0_lowered;
	s4 =	sadd.s32 s4, s6;
	[dreg:$0x0] =	wrdreg $0x0  }
0xa9: {  	s6 =	sshll.u32 s28, $0x1;
	[dreg:$0x2] =	wrdreg s4  }
0xaa: {  	[dreg:$0x3] =	wrdreg s6  }
0xab: {  	[dreg:$0x4] =	wrdreg $0xC0  }
0xac: {  	_ =	task [dreg:s8], $0x5FFFF  }
0xad: {  	[dreg:$0x1] =	wrdreg $0xFFFFFFFF  }
0xae: {  	[dreg:$0x0] =	wrdreg $0x60  }
0xaf: {  	[dreg:$0x2] =	wrdreg s2  }
0xb0: {  	[dreg:$0x3] =	wrdreg s18  }
0xb1: {  	[dreg:$0x4] =	wrdreg s24  }
0xb2: {  	[dreg:$0x5] =	wrdreg $0x9  }
0xb3: {  	_ =	task.clear_ibuf [dreg:s8], $0x6FFFF;
	_ =	strace $0x90000046  }
0xb4: {  	s29 =	simm.s32 $0x9;
	_ =	strace $0x80000048  }
0xb5: {  	_ =	swait.ge [sflag:s29], $0x1  }
0xb6: {  	[sflag:s29] =	ssyncadd.s32 $0xFFFFFFFF  }
0xb7: {  	_ =	strace $0x90000048  }
0xb8: {  	_ =	sfence  }
0xb9: {  	s30 =	sld [smem:$0x0];
	_ =	sdelay $0x2  }
0xba: {  	s31 =	sshll.u32 s1, $0xD;
	s1 =	sshrl.u32 s1, $0x2  }
0xbb: {  	s3 =	sand.u32 $0x4000, s31;
	s1 =	sadd.s32 s1, s30  }
0xbc: {  	s0 =	sor.u32 s3, s0;
	s1 =	sshll.u32 s1, $0x11  }
0xbd: {  	s0 =	sor.u32 s1, s0  }
0xbe: {  	s0 =	sadd.s32 $0x8F2B, s0  }
0xbf: {  	[sflag:s0] =	ssyncadd.remote.s32 $0x1  }
0xc0: {  	_ =	sfence.sel $0xFFFF  }
0xc1: {  	[dreg:$0x0] =	wrdreg $0xFFFFFFFF;
	(pc) =	sbr.abs _section_cstart, $3  }
0xc2: {  	[dreg:$0x1] =	wrdreg $0xFFFFFFFF  }
0xc3: {  	_ =	task.clear_ibuf [dreg:s8], $0x2FFFF;
	_ =	strace $0x9FFFFFFF  }
0xc4: {  	(tm) =	ssettm $0x7FFFFFFF  }
0xc5: {  	_ =	shalt  }
tec
execute0_lowered:
.L_overlay_start_1:
0x0: {  	(tag) =	ssettag $0x1  }
0x1: {  	s0 =	srdreg.scid  }
0x2: {  	s7 =	sand.u32 $0x1, s0  }
0x3: {  	s3 =	rddreg [dreg:$0x1];
	s0 =	stileid.u32;
	s1 =	sshll.u32 s7, $0x4  }
0x4: {  	s4 =	simm.s32 $0x1;
	s5 =	sand.u32 $0x7, s0;
	s2 =	sor.u32 s0, s1  }
0x5: {  	s6 =	rddreg [dreg:$0x2];
	p1 =	sne.s32 s5, $0x0;
	p0 =	seq.s32 s2, $0x0  }
0x6: {  	s13 =	simm.s32 $0x2;
	s14 =	simm.s32 $0x80;
	p0 =	por !p1, !p0  }
0x7: {  	s15 =	simm.s32 $0x0;
	s6 =	sadd.s32 $0x800, s6;
	p0 =	por !p0, !p0  }
0x8: {  	s30 =	ssub.s32 $0x2, s7;
	s8 =	sshrl.u32 s2, $0x3;
	s4 =	simm.s32 @!p0 $0x0  }
0x9: {  	s1 =	rddreg [dreg:$0x0];
	s5 =	sshll.u32 s5, $0xF;
	s8 =	ssub.s32 s8, s4  }
0xa: {  	v0 =	vlaneseq.u32;
	s10 =	sshrl.u32 s30, $0x1;
	s2 =	rddreg [dreg:$0x3];
	s9 =	sshll.u32 s8, $0x12  }
0xb: {  	v2 =	vor.u32 $0x10, v0;
	s12 =	ssub.s32 s30, s10;
	s4 =	simm.s32 $0x0;
	s5 =	sor.u32 s5, s9  }
0xc: {  	v3 =	vor.u32 $0x20, v0;
	v4 =	vor.u32 $0x30, v0;
	v5 =	vor.u32 $0x40, v0;
	s12 =	smax.u32 s12, $0x1;
	[smem:$0x7FF] =	sst s4;
	s31 =	sshrl.u32 s5, $0x3  }
0xd: {  	v6 =	vor.u32 $0x50, v0;
	v7 =	vor.u32 $0x60, v0;
	v1 =	vmov s8;
	s8 =	simm.s32 $0x1;
	_ =	strace $0x80000047;
	s7 =	sadd.s32 s6, s31  }
0xe: {  	v8 =	vor.u32 $0x70, v0;
	vm0 =	veq.s32 v1, v0;
	v1 =	vimm.f32 $0.0e+00;
	s9 =	sadd.s32 $0x400, s7;
	s10 =	sadd.s32 $0x800, s7;
	s11 =	sadd.s32 $0xC00, s7  }
.LBB2_1:
0xf: {  	[tilespmem:s4], [sflag:$0x2] =	stream.linear.gather [hbm4b:s1+s4], $0x80, $0x38;
	[tilespmem:$0x4500] =	vst v63  }
0x10: {  	_ =	swait.ge [sflag:s13], $0x80  }
0x11: {  	[sflag:s13] =	ssyncset.done $0x0  }
0x12: {  	[sflag:s13] =	ssyncadd.s32 $0xFFFFFF80  }
0x13: {  	[tilespmem:s14], [sflag:$0x2] =	stream.linear.gather [hbm4b:s3+s4], $0x80, $0x38;
	[tilespmem:$0x4500] =	vst v63  }
0x14: {  	_ =	swait.ge [sflag:s13], $0x80  }
0x15: {  	[sflag:s13] =	ssyncset.done $0x0  }
0x16: {  	[sflag:s13] =	ssyncadd.s32 $0xFFFFFF80  }
0x17: {  	v9 =	vld [tilespmem:$0x0];
	_ =	sdelay $0x4  }
0x18: {  	v9 =	vnsel vm0, $0x0, v9  }
0x19: {  	(xrf2) =	vadd.scan.msk.f32 $0xffff, v9;
	_ =	sdelay $0x3  }
0x1a: {  	s16 =	sand.u32 $0x70, s4;
	s17 =	sand.u32 $0x1C00, s4  }
0x1b: {  	s18 =	sor.u32 s16, s17  }
0x1c: {  	v10 =	vld [tilespmem:$0x80];
	[tilespmem:s18+$0x2100] =	vst v1  }
0x1d: {  	[tilespmem:s18+$0x2180] =	vst v1  }
0x1e: {  	[tilespmem:s18+$0x2200] =	vst v1  }
0x1f: {  	[tilespmem:s18+$0x2280] =	vst v1  }
0x20: {  	[tilespmem:s18+$0x2300] =	vst v1;
	v9, _, _ =	vpop (xrf2)  }
0x21: {  	[tilespmem:s18+$0x2380] =	vst v1;
	v9 =	vbroadcast v9, $0xF  }
0x22: {  	[tilespmem:s18+$0x2400] =	vst v1  }
0x23: {  	[tilespmem:s18+$0x180] =	vst v9  }
0x24: {  	[tilespmem:s18+$0x200] =	vst v9  }
0x25: {  	[tilespmem:s18+$0x280] =	vst v9  }
0x26: {  	[tilespmem:s18+$0x300] =	vst v9  }
0x27: {  	[tilespmem:s18+$0x380] =	vst v9  }
0x28: {  	s19 =	sor.u32 s4, s4;
	s16 =	simm.s32 $0x10;
	s17 =	simm.s32 $0x0;
	[tilespmem:s18+$0x400] =	vst v9  }
.LBB2_2:
0x29: {  	p0 =	sne.s32 s16, $0x3F0;
	[tilespmem:s18+$0x100] =	vst v9;
	s19 =	sor.u32 $0x380, s19;
	s17 =	sadd.s32 $0x80, s17  }
0x2a: {  	s20 =	sand.u32 $0x70, s16;
	s21 =	sand.u32 $0x1C00, s17;
	[tilespmem:s19+$0x100] =	vst v9  }
0x2b: {  	[tilespmem:s18+$0x2480] =	vst v1;
	s18 =	sor.u32 s20, s21  }
0x2c: {  	[tilespmem:s18+$0x2100] =	vst v1  }
0x2d: {  	[tilespmem:s18+$0x180] =	vst v9  }
0x2e: {  	[tilespmem:s18+$0x2180] =	vst v1  }
0x2f: {  	[tilespmem:s18+$0x200] =	vst v9  }
0x30: {  	[tilespmem:s18+$0x2200] =	vst v1  }
0x31: {  	[tilespmem:s18+$0x280] =	vst v9  }
0x32: {  	[tilespmem:s18+$0x2280] =	vst v1  }
0x33: {  	[tilespmem:s18+$0x300] =	vst v9  }
.Ltmp0:
0x34: {  	[tilespmem:s18+$0x2300] =	vst v1;
	(pc) =	sbr.rel @p0 .LBB2_2-.Ltmp0, $4  }
0x35: {  	[tilespmem:s18+$0x380] =	vst v9  }
0x36: {  	[tilespmem:s18+$0x2380] =	vst v1  }
0x37: {  	[tilespmem:s18+$0x400] =	vst v9  }
0x38: {  	s19 =	sor.u32 s17, s16;
	s16 =	sadd.s32 $0x10, s16;
	[tilespmem:s18+$0x2400] =	vst v1  }
0x39: {  	v10 =	vnsel vm0, $0x0, v10  }
0x3a: {  	(xrf0) =	vadd.scan.msk.s32 $0xffff, v10;
	_ =	sdelay $0x5  }
0x3b: {  	v10, _, _ =	vpop (xrf0)  }
0x3c: {  	(v2sf) =	vpush v10, $0xF;
	_ =	sdelay $0xe  }
0x3d: {  	s20 =	spop (v2sf)  }
0x3e: {  	s16 =	sand.u32 $0x7F, s20  }
0x3f: {  	s17 =	sshra.s32 s20, $0x1F;
	p0 =	slt.s32 s20, $0x1;
	p1 =	sne.s32 s16, $0x0  }
0x40: {  	s31 =	sshrl.u32 s17, $0x19;
	p0 =	por !p0, !p1  }
0x41: {  	s17 =	simm.s32 $0x1;
	s16 =	sadd.s32 s31, s20;
	p0 =	por !p0, !p0  }
0x42: {  	s16 =	sshra.s32 s16, $0x7;
	s17 =	simm.s32 @!p0 $0x0  }
0x43: {  	s16 =	ssub.s32 s16, s17  }
0x44: {  	s17 =	sshll.u32 s16, $0x7  }
0x45: {  	s20 =	ssub.s32 s20, s17  }
0x46: {  	[tilespmem:s18+$0x100] =	vst v9;
	s19 =	sor.u32 $0x380, s19;
	v10 =	vmov s20  }
0x47: {  	[tilespmem:s19+$0x100] =	vst v9;
	vm1 =	vgt.s32 v10, v0  }
0x48: {  	[tilespmem:s18+$0x2480] =	vst v1;
	v11 =	vnsel vm1, $0x0, v9  }
0x49: {  	[tilespmem:$0x4100] =	vst v11  }
0x4a: {  	[tilespmem:$0x4180] =	vst v11  }
0x4b: {  	[tilespmem:$0x4200] =	vst v11  }
0x4c: {  	[tilespmem:$0x4280] =	vst v11  }
0x4d: {  	[tilespmem:$0x4300] =	vst v11  }
0x4e: {  	[tilespmem:$0x4380] =	vst v11  }
0x4f: {  	vm1 =	vgt.s32 v10, v2;
	[tilespmem:$0x4400] =	vst v11  }
0x50: {  	[tilespmem:$0x4480] =	vst v11;
	v11 =	vnsel vm1, $0x0, v9  }
0x51: {  	[tilespmem:$0x4110] =	vst v11  }
0x52: {  	[tilespmem:$0x4190] =	vst v11  }
0x53: {  	[tilespmem:$0x4210] =	vst v11  }
0x54: {  	[tilespmem:$0x4290] =	vst v11  }
0x55: {  	[tilespmem:$0x4310] =	vst v11  }
0x56: {  	[tilespmem:$0x4390] =	vst v11  }
0x57: {  	vm1 =	vgt.s32 v10, v3;
	[tilespmem:$0x4410] =	vst v11  }
0x58: {  	[tilespmem:$0x4490] =	vst v11;
	v11 =	vnsel vm1, $0x0, v9  }
0x59: {  	[tilespmem:$0x4120] =	vst v11  }
0x5a: {  	[tilespmem:$0x41A0] =	vst v11  }
0x5b: {  	[tilespmem:$0x4220] =	vst v11  }
0x5c: {  	[tilespmem:$0x42A0] =	vst v11  }
0x5d: {  	[tilespmem:$0x4320] =	vst v11  }
0x5e: {  	[tilespmem:$0x43A0] =	vst v11  }
0x5f: {  	vm1 =	vgt.s32 v10, v4;
	[tilespmem:$0x4420] =	vst v11  }
0x60: {  	[tilespmem:$0x44A0] =	vst v11;
	v11 =	vnsel vm1, $0x0, v9  }
0x61: {  	[tilespmem:$0x4130] =	vst v11  }
0x62: {  	[tilespmem:$0x41B0] =	vst v11  }
0x63: {  	[tilespmem:$0x4230] =	vst v11  }
0x64: {  	[tilespmem:$0x42B0] =	vst v11  }
0x65: {  	[tilespmem:$0x4330] =	vst v11  }
0x66: {  	[tilespmem:$0x43B0] =	vst v11  }
0x67: {  	vm1 =	vgt.s32 v10, v5;
	[tilespmem:$0x4430] =	vst v11  }
0x68: {  	[tilespmem:$0x44B0] =	vst v11;
	v11 =	vnsel vm1, $0x0, v9  }
0x69: {  	[tilespmem:$0x4140] =	vst v11  }
0x6a: {  	[tilespmem:$0x41C0] =	vst v11  }
0x6b: {  	[tilespmem:$0x4240] =	vst v11  }
0x6c: {  	[tilespmem:$0x42C0] =	vst v11  }
0x6d: {  	[tilespmem:$0x4340] =	vst v11  }
0x6e: {  	[tilespmem:$0x43C0] =	vst v11  }
0x6f: {  	vm1 =	vgt.s32 v10, v6;
	[tilespmem:$0x4440] =	vst v11  }
0x70: {  	[tilespmem:$0x44C0] =	vst v11;
	v11 =	vnsel vm1, $0x0, v9  }
0x71: {  	[tilespmem:$0x4150] =	vst v11  }
0x72: {  	[tilespmem:$0x41D0] =	vst v11  }
0x73: {  	[tilespmem:$0x4250] =	vst v11  }
0x74: {  	[tilespmem:$0x42D0] =	vst v11  }
0x75: {  	[tilespmem:$0x4350] =	vst v11  }
0x76: {  	[tilespmem:$0x43D0] =	vst v11  }
0x77: {  	vm1 =	vgt.s32 v10, v7;
	[tilespmem:$0x4450] =	vst v11  }
0x78: {  	[tilespmem:$0x44D0] =	vst v11;
	v11 =	vnsel vm1, $0x0, v9  }
0x79: {  	[tilespmem:$0x4160] =	vst v11  }
0x7a: {  	[tilespmem:$0x41E0] =	vst v11  }
0x7b: {  	[tilespmem:$0x4260] =	vst v11  }
0x7c: {  	[tilespmem:$0x42E0] =	vst v11  }
0x7d: {  	[tilespmem:$0x4360] =	vst v11  }
0x7e: {  	[tilespmem:$0x43E0] =	vst v11  }
0x7f: {  	vm1 =	vgt.s32 v10, v8;
	[tilespmem:$0x4460] =	vst v11  }
0x80: {  	[tilespmem:$0x44E0] =	vst v11;
	v9 =	vnsel vm1, $0x0, v9  }
0x81: {  	[tilespmem:$0x4170] =	vst v9  }
0x82: {  	[tilespmem:$0x41F0] =	vst v9  }
0x83: {  	s18 =	ssub.s32 $0x400, s17;
	[tilespmem:$0x4270] =	vst v9  }
0x84: {  	p0 =	sgt.s32 s18, $0x0;
	[tilespmem:$0x42F0] =	vst v9  }
0x85: {  	s18 =	simm.s32 @!p0 $0x0;
	[tilespmem:$0x4370] =	vst v9  }
0x86: {  	s18 =	smin.u32 s18, $0x400;
	[tilespmem:$0x43F0] =	vst v9  }
0x87: {  	s18 =	sshll.u32 s18, $0x3;
	[tilespmem:$0x4470] =	vst v9  }
0x88: {  	s18 =	sor.u32 $0x100, s18;
	[tilespmem:$0x44F0] =	vst v9  }
0x89: {  	[hbm4b:s7+s4] =	stream.linear.scatter [tilespmem:s18], [sflag:$0x1], $0x2000, $0x38;
	[tilespmem:$0x4500] =	vst v63  }
0x8a: {  	s18 =	ssub.s32 $0x800, s17  }
0x8b: {  	p0 =	sgt.s32 s18, $0x0  }
0x8c: {  	s18 =	simm.s32 @!p0 $0x0  }
0x8d: {  	s18 =	smin.u32 s18, $0x400  }
0x8e: {  	s18 =	sshll.u32 s18, $0x3  }
0x8f: {  	s18 =	sor.u32 $0x100, s18  }
0x90: {  	[hbm4b:s9+s4] =	stream.linear.scatter [tilespmem:s18], [sflag:$0x1], $0x2000, $0x38;
	[tilespmem:$0x4500] =	vst v63  }
0x91: {  	s18 =	ssub.s32 $0xC00, s17  }
0x92: {  	s17 =	ssub.s32 $0x1000, s17;
	p0 =	sgt.s32 s18, $0x0  }
0x93: {  	s18 =	simm.s32 @!p0 $0x0;
	p0 =	sgt.s32 s17, $0x0  }
0x94: {  	s18 =	smin.u32 s18, $0x400;
	s17 =	simm.s32 @!p0 $0x0  }
0x95: {  	s18 =	sshll.u32 s18, $0x3;
	s17 =	smin.u32 s17, $0x400  }
0x96: {  	s18 =	sor.u32 $0x100, s18;
	s17 =	sshll.u32 s17, $0x3  }
0x97: {  	[hbm4b:s10+s4] =	stream.linear.scatter [tilespmem:s18], [sflag:$0x1], $0x2000, $0x38;
	[tilespmem:$0x4500] =	vst v63  }
0x98: {  	s17 =	sor.u32 $0x100, s17  }
0x99: {  	[hbm4b:s11+s4] =	stream.linear.scatter [tilespmem:s17], [sflag:$0x1], $0x2000, $0x38;
	[tilespmem:$0x4500] =	vst v63  }
0x9a: {  	_ =	swait.ge [sflag:s8], $0x2000  }
0x9b: {  	[sflag:s8] =	ssyncset.done $0x0  }
0x9c: {  	[sflag:s8] =	ssyncadd.s32 $0xFFFFE000  }
0x9d: {  	_ =	swait.ge [sflag:s8], $0x2000  }
0x9e: {  	[sflag:s8] =	ssyncset.done $0x0  }
0x9f: {  	[sflag:s8] =	ssyncadd.s32 $0xFFFFE000  }
0xa0: {  	_ =	swait.ge [sflag:s8], $0x2000  }
0xa1: {  	p0 =	sgt.s32 s16, $0x1F;
	[sflag:s8] =	ssyncset.done $0x0  }
0xa2: {  	s15 =	sadd.s32 $0x1, s15;
	s16 =	sshll.u32 @!p0 s16, $0xA;
	[sflag:s8] =	ssyncadd.s32 $0xFFFFE000  }
0xa3: {  	p1 =	sne.s32 s15, s12;
	s16 =	sadd.s32 @!p0 s5, s16;
	_ =	swait.ge [sflag:s8], $0x2000  }
0xa4: {  	s16 =	sshrl.u32 @!p0 s16, $0x3;
	s18 =	simm.s32 @!p0 $0x4100;
	[sflag:s8] =	ssyncset.done $0x0  }
0xa5: {  	s16 =	sadd.s32 @!p0 s6, s16;
	s17 =	simm.s32 @!p0 $0x0;
	[sflag:s8] =	ssyncadd.s32 $0xFFFFE000  }
0xa6: {  	[hbm4b:s16+s17] =	stream.linear.scatter @!p0 [tilespmem:s18], [sflag:$0x1], $0x400, $0x38;
	[tilespmem:$0x4500] =	vst v63  }
.Ltmp1:
0xa7: {  	_ = 	snop;
	(pc) =	sbr.rel @p1 .LBB2_1-.Ltmp1, $4  }
0xa8: {  	s16 =	simm.s32 @!p0 $0x1  }
0xa9: {  	_ =	swait.ge @!p0 [sflag:s16], $0x400  }
0xaa: {  	[sflag:s16] =	ssyncset.done @!p0 $0x0  }
0xab: {  	[sflag:s16] =	ssyncadd.s32 @!p0 $0xFFFFFC00  }
0xac: {  	_ =	sfence.sel $0x180000  }
0xad: {  	[bflag:$0x0] =	sbarrier.arrive $0xFFFF  }
0xae: {  	p0 =	sne.s32 s0, $0x0;
	_ =	strace $0x90000047  }
0xaf: {  	s0 =	sadd.s32 @!p0 $0x100000, s2;
	[bflag:$0x2] =	sbarrier.arrive $0xFFFF  }
0xb0: {  	[sflag:s0] =	ssyncadd.tile.s32 @!p0 $0x1;
	_ =	shalt  }
.Lfunc_end2:
_tile_overlayer_lowered:
.L_overlay_start_2:
0xb1: {  	(tag) =	ssettag $0x2  }
0xb2: {  	s0 =	rddreg [dreg:$0x0];
	s2 =	stileid.u32  }
0xb3: {  	s1 =	rddreg [dreg:$0x1];
	p0 =	sne.s32 s2, $0x0  }
0xb4: {  	s3 =	rddreg [dreg:$0x2];
	[bflag:$0x3] =	sbarrier.arrive $0xFFFF;
	s2 =	simm.s32 @!p0 $0x1C02  }
0xb5: {  	[timem:s3], [sflag:s2] =	dma.local @!p0 [hbm:s0], s1  }
0xb6: {  	s0 =	simm.s32 @!p0 $0x2  }
0xb7: {  	_ =	swait.ge @!p0 [sflag:s0], s1  }
0xb8: {  	s1 =	ssub.s32 @!p0 $0x0, s1;
	[sflag:s0] =	ssyncset.done @!p0 $0x0  }
0xb9: {  	[sflag:s0] =	ssyncadd.s32 @!p0 s1  }
0xba: {  	[bflag:$0x3] =	sbarrier.arrive $0xFFFF  }
0xbb: {  	_ =	shalt  }

</sc_bundles>
